<compile_context>
chip_gen: v7x
topology: tpu7x:2x2x1
jax: 0.10.2.dev20260603
libtpu: 0.0.44.dev20260713+nightly
codegen_flags: <defaults>
</compile_context>

<pallas_src>
import jax
import jax.numpy as jnp
from jax import lax
from jax.experimental import pallas as pl
from jax.experimental.pallas import tpu as pltpu
from jax.experimental.pallas import tpu_sc as plsc

VOCAB = 100000
DIM = 512
BATCH = 4
SEQ = 8192
NTOK = BATCH * SEQ

NC = 2
NS = 16
NW = NC * NS
TOK_PER_W = NTOK // NW
CHUNK = 80
CHUNK_LENS = [80] * 12 + [64]
CHUNK_OFFS = [80 * i for i in range(12)] + [960]
NCHUNK = len(CHUNK_OFFS)
NBUF = 3


def _embed_body(tokens_hbm, table_hbm, out_hbm, idx_v, *scratch):
    cid = lax.axis_index("c")
    sid = lax.axis_index("s")
    wid = sid * NC + cid
    base = wid * TOK_PER_W
    pltpu.sync_copy(tokens_hbm.at[pl.ds(base, TOK_PER_W)], idx_v)

    bufs = scratch[:NBUF]
    gsems = scratch[NBUF:2 * NBUF]
    osems = scratch[2 * NBUF:]
    gat = [None] * NBUF
    out = [None] * NBUF
    look = NBUF - 1
    for c in range(NCHUNK + look):
        if c < NCHUNK:
            b = c % NBUF
            if out[b] is not None:
                out[b].wait()
            n = CHUNK_LENS[c]
            gat[b] = pltpu.async_copy(
                table_hbm.at[idx_v.at[pl.ds(CHUNK_OFFS[c], n)]],
                bufs[b].at[pl.ds(0, n)], gsems[b])
        d = c - look
        if d >= 0:
            b = d % NBUF
            gat[b].wait()
            n = CHUNK_LENS[d]
            out[b] = pltpu.async_copy(
                bufs[b].at[pl.ds(0, n)],
                out_hbm.at[pl.ds(base + CHUNK_OFFS[d], n)],
                osems[b])
    for b in range(NBUF):
        if out[b] is not None:
            out[b].wait()


@jax.jit
def _embed(tokens_flat, table):
    mesh = plsc.VectorSubcoreMesh(core_axis_name="c", subcore_axis_name="s")
    return pl.kernel(
        _embed_body,
        out_type=jax.ShapeDtypeStruct((NTOK, DIM), jnp.float32),
        mesh=mesh,
        scratch_types=(
            [pltpu.VMEM((TOK_PER_W,), jnp.int32)]
            + [pltpu.VMEM((CHUNK, DIM), jnp.float32)] * NBUF
            + [pltpu.SemaphoreType.DMA] * (2 * NBUF)
        ),
    )(tokens_flat, table)


def kernel(tokens, tok_embeddings_weight):
    tokens_flat = tokens.reshape(-1).astype(jnp.int32)
    out = _embed(tokens_flat, tok_embeddings_weight)
    return out.reshape(BATCH, SEQ, DIM)

# --- scband reference (transcript-rebuilt; emitter-appended) ---
"""Pipeline reference for scband-pre-transformer-962072674841 (READ-ONLY COPY).

The authoritative reference and input builder live on the scoring server;
editing this copy changes nothing except your own understanding.
"""

import jax, jax.numpy as jnp
import numpy as np

VOCAB = 100000
DIM = 512
BATCH = 4
SEQ = 8192

def setup_inputs(seed: int = 0) -> dict:
    key = jax.random.key(seed)
    k_tok, k_emb = jax.random.split(key)
    tokens = jax.random.randint(k_tok, (BATCH, SEQ), 0, VOCAB, dtype=jnp.int64 if jax.config.jax_enable_x64 else jnp.int32)
    # nn.Embedding default init: N(0, 1)
    tok_embeddings_weight = jax.random.normal(k_emb, (VOCAB, DIM), dtype=jnp.float32)
    return {"tokens": tokens, "tok_embeddings_weight": tok_embeddings_weight}

def reference(tokens, tok_embeddings_weight):
    # h = self.tok_embeddings(tokens)
    h = jnp.take(tok_embeddings_weight, tokens, axis=0)
    return h

if __name__ == "__main__":
    import jax
    _d = setup_inputs()
    print(jax.jit(kernel)(*tuple(_d.values())))

</pallas_src>

<mosaic_0001>
#map = affine_map<(d0, d1) -> (0)>
#map1 = affine_map<(d0, d1) -> (0, 0)>
module attributes {stable_mosaic.version = 14 : i64} {
  func.func @_embed_body(%arg0: i32, %arg1: i32, %arg2: memref<32768xi32, #tpu.memory_space<hbm>>, %arg3: memref<100000x512xf32, #tpu.memory_space<hbm>>, %arg4: memref<32768x512xf32, #tpu.memory_space<hbm>>, %arg5: memref<1024xi32, #tpu.memory_space<vmem>>, %arg6: memref<80x512xf32, #tpu.memory_space<vmem>>, %arg7: memref<80x512xf32, #tpu.memory_space<vmem>>, %arg8: memref<80x512xf32, #tpu.memory_space<vmem>>, %arg9: memref<!tpu.dma_semaphore, #tpu.memory_space<semaphore_mem>>, %arg10: memref<!tpu.dma_semaphore, #tpu.memory_space<semaphore_mem>>, %arg11: memref<!tpu.dma_semaphore, #tpu.memory_space<semaphore_mem>>, %arg12: memref<!tpu.dma_semaphore, #tpu.memory_space<semaphore_mem>>, %arg13: memref<!tpu.dma_semaphore, #tpu.memory_space<semaphore_mem>>, %arg14: memref<!tpu.dma_semaphore, #tpu.memory_space<semaphore_mem>>) attributes {dimension_semantics = [#tpu.dimension_semantics<core_parallel>, #tpu.dimension_semantics<subcore_parallel>], iteration_bounds = array<i64: 2, 16>, scalar_prefetch = 0 : i64, scratch_operands = 10 : i64, tpu.core_type = #tpu.core_type<sc_vector_subcore>, window_params = [{transform_indices = #map}, {transform_indices = #map1}, {transform_indices = #map1}]} {
    %mul3A = arith.constant 2 : i32
    %mul3A_0 = arith.muli %arg1, %mul3A : i32
    %add3A = arith.addi %mul3A_0, %arg0 : i32
    %mul3A_1 = arith.constant 1024 : i32
    %mul3A_2 = arith.muli %add3A, %mul3A_1 : i32
    "tpu.region"() ({
      %run_scoped3A = tpu.sem_alloc : memref<!tpu.dma_semaphore, #tpu.memory_space<semaphore_mem>>
      %dma_start3A_495 = tpu.memref_slice %arg2[%mul3A_2] : memref<32768xi32, #tpu.memory_space<hbm>> -> memref<1024xi32, #tpu.memory_space<hbm>>
      %dma_start3A_496 = tpu.memref_slice %arg2[%mul3A_2] : memref<32768xi32, #tpu.memory_space<hbm>> -> memref<1024xi32, #tpu.memory_space<hbm>>
      tpu.enqueue_dma source(%dma_start3A_496 : memref<1024xi32, #tpu.memory_space<hbm>>) target(%arg5 : memref<1024xi32, #tpu.memory_space<vmem>>) target_semaphore(%run_scoped3A : memref<!tpu.dma_semaphore, #tpu.memory_space<semaphore_mem>>)
      %dma_wait3A_497 = tpu.memref_slice %arg2[%mul3A_2] : memref<32768xi32, #tpu.memory_space<hbm>> -> memref<1024xi32, #tpu.memory_space<hbm>>
      %dma_wait3A_498 = tpu.memref_slice %arg2[%mul3A_2] : memref<32768xi32, #tpu.memory_space<hbm>> -> memref<1024xi32, #tpu.memory_space<hbm>>
      tpu.wait_dma2 semaphore(%run_scoped3A : memref<!tpu.dma_semaphore, #tpu.memory_space<semaphore_mem>>) src(%dma_wait3A_498 : memref<1024xi32, #tpu.memory_space<hbm>>) dst(%arg5 : memref<1024xi32, #tpu.memory_space<vmem>>)
      tpu.yield
    }) : () -> ()
    %dma_start3A = arith.constant 0 : i32
    %dma_start3A_3 = arith.constant 0 : i32
    %dma_start3A_4 = tpu.memref_slice %arg6[%dma_start3A, %dma_start3A_3] : memref<80x512xf32, #tpu.memory_space<vmem>> -> memref<80x512xf32, #tpu.memory_space<vmem>>
    %dma_start3A_5 = arith.constant 0 : i32
    %dma_start3A_6 = tpu.memref_slice %arg5[%dma_start3A_5] : memref<1024xi32, #tpu.memory_space<vmem>> -> memref<80xi32, #tpu.memory_space<vmem>>
    %dma_start3A_7 = arith.constant 0 : i32
    %dma_start3A_8 = arith.constant 0 : i32
    %dma_start3A_9 = tpu.memref_slice %arg3[%dma_start3A_7, %dma_start3A_8] : memref<100000x512xf32, #tpu.memory_space<hbm>> -> memref<100000x512xf32, #tpu.memory_space<hbm>>
    tpu.enqueue_indirect_dma source(%dma_start3A_9 : memref<100000x512xf32, #tpu.memory_space<hbm>>) target(%dma_start3A_4 : memref<80x512xf32, #tpu.memory_space<vmem>>) offsets(%dma_start3A_6 : memref<80xi32, #tpu.memory_space<vmem>>) semaphore(%arg9 : memref<!tpu.dma_semaphore, #tpu.memory_space<semaphore_mem>>)
    %dma_start3A_10 = arith.constant 0 : i32
    %dma_start3A_11 = arith.constant 0 : i32
    %dma_start3A_12 = tpu.memref_slice %arg7[%dma_start3A_10, %dma_start3A_11] : memref<80x512xf32, #tpu.memory_space<vmem>> -> memref<80x512xf32, #tpu.memory_space<vmem>>
    %dma_start3A_13 = arith.constant 80 : i32
    %dma_start3A_14 = tpu.memref_slice %arg5[%dma_start3A_13] : memref<1024xi32, #tpu.memory_space<vmem>> -> memref<80xi32, #tpu.memory_space<vmem>>
    %dma_start3A_15 = arith.constant 0 : i32
    %dma_start3A_16 = arith.constant 0 : i32
    %dma_start3A_17 = tpu.memref_slice %arg3[%dma_start3A_15, %dma_start3A_16] : memref<100000x512xf32, #tpu.memory_space<hbm>> -> memref<100000x512xf32, #tpu.memory_space<hbm>>
    tpu.enqueue_indirect_dma source(%dma_start3A_17 : memref<100000x512xf32, #tpu.memory_space<hbm>>) target(%dma_start3A_12 : memref<80x512xf32, #tpu.memory_space<vmem>>) offsets(%dma_start3A_14 : memref<80xi32, #tpu.memory_space<vmem>>) semaphore(%arg10 : memref<!tpu.dma_semaphore, #tpu.memory_space<semaphore_mem>>)
    %dma_start3A_18 = arith.constant 0 : i32
    %dma_start3A_19 = arith.constant 0 : i32
    %dma_start3A_20 = tpu.memref_slice %arg8[%dma_start3A_18, %dma_start3A_19] : memref<80x512xf32, #tpu.memory_space<vmem>> -> memref<80x512xf32, #tpu.memory_space<vmem>>
    %dma_start3A_21 = arith.constant 160 : i32
    %dma_start3A_22 = tpu.memref_slice %arg5[%dma_start3A_21] : memref<1024xi32, #tpu.memory_space<vmem>> -> memref<80xi32, #tpu.memory_space<vmem>>
    %dma_start3A_23 = arith.constant 0 : i32
    %dma_start3A_24 = arith.constant 0 : i32
    %dma_start3A_25 = tpu.memref_slice %arg3[%dma_start3A_23, %dma_start3A_24] : memref<100000x512xf32, #tpu.memory_space<hbm>> -> memref<100000x512xf32, #tpu.memory_space<hbm>>
    tpu.enqueue_indirect_dma source(%dma_start3A_25 : memref<100000x512xf32, #tpu.memory_space<hbm>>) target(%dma_start3A_20 : memref<80x512xf32, #tpu.memory_space<vmem>>) offsets(%dma_start3A_22 : memref<80xi32, #tpu.memory_space<vmem>>) semaphore(%arg11 : memref<!tpu.dma_semaphore, #tpu.memory_space<semaphore_mem>>)
    %dma_wait3A = arith.constant 0 : i32
    %dma_wait3A_26 = arith.constant 0 : i32
    %dma_wait3A_27 = tpu.memref_slice %arg6[%dma_wait3A, %dma_wait3A_26] : memref<80x512xf32, #tpu.memory_space<vmem>> -> memref<80x512xf32, #tpu.memory_space<vmem>>
    %dma_wait3A_28 = arith.constant 0 : i32
    %dma_wait3A_29 = tpu.memref_slice %arg5[%dma_wait3A_28] : memref<1024xi32, #tpu.memory_space<vmem>> -> memref<80xi32, #tpu.memory_space<vmem>>
    %dma_wait3A_30 = arith.constant 0 : i32
    %dma_wait3A_31 = arith.constant 0 : i32
    %dma_wait3A_32 = tpu.memref_slice %arg3[%dma_wait3A_30, %dma_wait3A_31] : memref<100000x512xf32, #tpu.memory_space<hbm>> -> memref<100000x512xf32, #tpu.memory_space<hbm>>
    tpu.wait_indirect_dma semaphore(%arg9 : memref<!tpu.dma_semaphore, #tpu.memory_space<semaphore_mem>>) src(%dma_wait3A_32 : memref<100000x512xf32, #tpu.memory_space<hbm>>) dst(%dma_wait3A_27 : memref<80x512xf32, #tpu.memory_space<vmem>>)
    %add3A_33 = arith.constant 0 : i32
    %add3A_34 = arith.addi %mul3A_2, %add3A_33 : i32
    %dma_start3A_35 = arith.constant 0 : i32
    %dma_start3A_36 = arith.constant 0 : i32
    %dma_start3A_37 = tpu.memref_slice %arg6[%dma_start3A_35, %dma_start3A_36] : memref<80x512xf32, #tpu.memory_space<vmem>> -> memref<80x512xf32, #tpu.memory_space<vmem>>
    %dma_start3A_38 = arith.constant 0 : i32
    %dma_start3A_39 = tpu.memref_slice %arg4[%add3A_34, %dma_start3A_38] : memref<32768x512xf32, #tpu.memory_space<hbm>> -> memref<80x512xf32, #tpu.memory_space<hbm>>
    %dma_start3A_40 = arith.constant 0 : i32
    %dma_start3A_41 = tpu.memref_slice %arg4[%add3A_34, %dma_start3A_40] : memref<32768x512xf32, #tpu.memory_space<hbm>> -> memref<80x512xf32, #tpu.memory_space<hbm>>
    %dma_start3A_42 = arith.constant 0 : i32
    %dma_start3A_43 = arith.constant 0 : i32
    %dma_start3A_44 = tpu.memref_slice %arg6[%dma_start3A_42, %dma_start3A_43] : memref<80x512xf32, #tpu.memory_space<vmem>> -> memref<80x512xf32, #tpu.memory_space<vmem>>
    tpu.enqueue_dma source(%dma_start3A_44 : memref<80x512xf32, #tpu.memory_space<vmem>>) target(%dma_start3A_41 : memref<80x512xf32, #tpu.memory_space<hbm>>) target_semaphore(%arg12 : memref<!tpu.dma_semaphore, #tpu.memory_space<semaphore_mem>>)
    %dma_wait3A_45 = arith.constant 0 : i32
    %dma_wait3A_46 = arith.constant 0 : i32
    %dma_wait3A_47 = tpu.memref_slice %arg6[%dma_wait3A_45, %dma_wait3A_46] : memref<80x512xf32, #tpu.memory_space<vmem>> -> memref<80x512xf32, #tpu.memory_space<vmem>>
    %dma_wait3A_48 = arith.constant 0 : i32
    %dma_wait3A_49 = tpu.memref_slice %arg4[%add3A_34, %dma_wait3A_48] : memref<32768x512xf32, #tpu.memory_space<hbm>> -> memref<80x512xf32, #tpu.memory_space<hbm>>
    %dma_wait3A_50 = arith.constant 0 : i32
    %dma_wait3A_51 = tpu.memref_slice %arg4[%add3A_34, %dma_wait3A_50] : memref<32768x512xf32, #tpu.memory_space<hbm>> -> memref<80x512xf32, #tpu.memory_space<hbm>>
    %dma_wait3A_52 = arith.constant 0 : i32
    %dma_wait3A_53 = arith.constant 0 : i32
    %dma_wait3A_54 = tpu.memref_slice %arg6[%dma_wait3A_52, %dma_wait3A_53] : memref<80x512xf32, #tpu.memory_space<vmem>> -> memref<80x512xf32, #tpu.memory_space<vmem>>
    tpu.wait_dma2 semaphore(%arg12 : memref<!tpu.dma_semaphore, #tpu.memory_space<semaphore_mem>>) src(%dma_wait3A_54 : memref<80x512xf32, #tpu.memory_space<vmem>>) dst(%dma_wait3A_51 : memref<80x512xf32, #tpu.memory_space<hbm>>)
    %dma_start3A_55 = arith.constant 0 : i32
    %dma_start3A_56 = arith.constant 0 : i32
    %dma_start3A_57 = tpu.memref_slice %arg6[%dma_start3A_55, %dma_start3A_56] : memref<80x512xf32, #tpu.memory_space<vmem>> -> memref<80x512xf32, #tpu.memory_space<vmem>>
    %dma_start3A_58 = arith.constant 240 : i32
    %dma_start3A_59 = tpu.memref_slice %arg5[%dma_start3A_58] : memref<1024xi32, #tpu.memory_space<vmem>> -> memref<80xi32, #tpu.memory_space<vmem>>
    %dma_start3A_60 = arith.constant 0 : i32
    %dma_start3A_61 = arith.constant 0 : i32
    %dma_start3A_62 = tpu.memref_slice %arg3[%dma_start3A_60, %dma_start3A_61] : memref<100000x512xf32, #tpu.memory_space<hbm>> -> memref<100000x512xf32, #tpu.memory_space<hbm>>
    tpu.enqueue_indirect_dma source(%dma_start3A_62 : memref<100000x512xf32, #tpu.memory_space<hbm>>) target(%dma_start3A_57 : memref<80x512xf32, #tpu.memory_space<vmem>>) offsets(%dma_start3A_59 : memref<80xi32, #tpu.memory_space<vmem>>) semaphore(%arg9 : memref<!tpu.dma_semaphore, #tpu.memory_space<semaphore_mem>>)
    %dma_wait3A_63 = arith.constant 0 : i32
    %dma_wait3A_64 = arith.constant 0 : i32
    %dma_wait3A_65 = tpu.memref_slice %arg7[%dma_wait3A_63, %dma_wait3A_64] : memref<80x512xf32, #tpu.memory_space<vmem>> -> memref<80x512xf32, #tpu.memory_space<vmem>>
    %dma_wait3A_66 = arith.constant 80 : i32
    %dma_wait3A_67 = tpu.memref_slice %arg5[%dma_wait3A_66] : memref<1024xi32, #tpu.memory_space<vmem>> -> memref<80xi32, #tpu.memory_space<vmem>>
    %dma_wait3A_68 = arith.constant 0 : i32
    %dma_wait3A_69 = arith.constant 0 : i32
    %dma_wait3A_70 = tpu.memref_slice %arg3[%dma_wait3A_68, %dma_wait3A_69] : memref<100000x512xf32, #tpu.memory_space<hbm>> -> memref<100000x512xf32, #tpu.memory_space<hbm>>
    tpu.wait_indirect_dma semaphore(%arg10 : memref<!tpu.dma_semaphore, #tpu.memory_space<semaphore_mem>>) src(%dma_wait3A_70 : memref<100000x512xf32, #tpu.memory_space<hbm>>) dst(%dma_wait3A_65 : memref<80x512xf32, #tpu.memory_space<vmem>>)
    %add3A_71 = arith.constant 80 : i32
    %add3A_72 = arith.addi %mul3A_2, %add3A_71 : i32
    %dma_start3A_73 = arith.constant 0 : i32
    %dma_start3A_74 = arith.constant 0 : i32
    %dma_start3A_75 = tpu.memref_slice %arg7[%dma_start3A_73, %dma_start3A_74] : memref<80x512xf32, #tpu.memory_space<vmem>> -> memref<80x512xf32, #tpu.memory_space<vmem>>
    %dma_start3A_76 = arith.constant 0 : i32
    %dma_start3A_77 = tpu.memref_slice %arg4[%add3A_72, %dma_start3A_76] : memref<32768x512xf32, #tpu.memory_space<hbm>> -> memref<80x512xf32, #tpu.memory_space<hbm>>
    %dma_start3A_78 = arith.constant 0 : i32
    %dma_start3A_79 = tpu.memref_slice %arg4[%add3A_72, %dma_start3A_78] : memref<32768x512xf32, #tpu.memory_space<hbm>> -> memref<80x512xf32, #tpu.memory_space<hbm>>
    %dma_start3A_80 = arith.constant 0 : i32
    %dma_start3A_81 = arith.constant 0 : i32
    %dma_start3A_82 = tpu.memref_slice %arg7[%dma_start3A_80, %dma_start3A_81] : memref<80x512xf32, #tpu.memory_space<vmem>> -> memref<80x512xf32, #tpu.memory_space<vmem>>
    tpu.enqueue_dma source(%dma_start3A_82 : memref<80x512xf32, #tpu.memory_space<vmem>>) target(%dma_start3A_79 : memref<80x512xf32, #tpu.memory_space<hbm>>) target_semaphore(%arg13 : memref<!tpu.dma_semaphore, #tpu.memory_space<semaphore_mem>>)
    %dma_wait3A_83 = arith.constant 0 : i32
    %dma_wait3A_84 = arith.constant 0 : i32
    %dma_wait3A_85 = tpu.memref_slice %arg7[%dma_wait3A_83, %dma_wait3A_84] : memref<80x512xf32, #tpu.memory_space<vmem>> -> memref<80x512xf32, #tpu.memory_space<vmem>>
    %dma_wait3A_86 = arith.constant 0 : i32
    %dma_wait3A_87 = tpu.memref_slice %arg4[%add3A_72, %dma_wait3A_86] : memref<32768x512xf32, #tpu.memory_space<hbm>> -> memref<80x512xf32, #tpu.memory_space<hbm>>
    %dma_wait3A_88 = arith.constant 0 : i32
    %dma_wait3A_89 = tpu.memref_slice %arg4[%add3A_72, %dma_wait3A_88] : memref<32768x512xf32, #tpu.memory_space<hbm>> -> memref<80x512xf32, #tpu.memory_space<hbm>>
    %dma_wait3A_90 = arith.constant 0 : i32
    %dma_wait3A_91 = arith.constant 0 : i32
    %dma_wait3A_92 = tpu.memref_slice %arg7[%dma_wait3A_90, %dma_wait3A_91] : memref<80x512xf32, #tpu.memory_space<vmem>> -> memref<80x512xf32, #tpu.memory_space<vmem>>
    tpu.wait_dma2 semaphore(%arg13 : memref<!tpu.dma_semaphore, #tpu.memory_space<semaphore_mem>>) src(%dma_wait3A_92 : memref<80x512xf32, #tpu.memory_space<vmem>>) dst(%dma_wait3A_89 : memref<80x512xf32, #tpu.memory_space<hbm>>)
    %dma_start3A_93 = arith.constant 0 : i32
    %dma_start3A_94 = arith.constant 0 : i32
    %dma_start3A_95 = tpu.memref_slice %arg7[%dma_start3A_93, %dma_start3A_94] : memref<80x512xf32, #tpu.memory_space<vmem>> -> memref<80x512xf32, #tpu.memory_space<vmem>>
    %dma_start3A_96 = arith.constant 320 : i32
    %dma_start3A_97 = tpu.memref_slice %arg5[%dma_start3A_96] : memref<1024xi32, #tpu.memory_space<vmem>> -> memref<80xi32, #tpu.memory_space<vmem>>
    %dma_start3A_98 = arith.constant 0 : i32
    %dma_start3A_99 = arith.constant 0 : i32
    %dma_start3A_100 = tpu.memref_slice %arg3[%dma_start3A_98, %dma_start3A_99] : memref<100000x512xf32, #tpu.memory_space<hbm>> -> memref<100000x512xf32, #tpu.memory_space<hbm>>
    tpu.enqueue_indirect_dma source(%dma_start3A_100 : memref<100000x512xf32, #tpu.memory_space<hbm>>) target(%dma_start3A_95 : memref<80x512xf32, #tpu.memory_space<vmem>>) offsets(%dma_start3A_97 : memref<80xi32, #tpu.memory_space<vmem>>) semaphore(%arg10 : memref<!tpu.dma_semaphore, #tpu.memory_space<semaphore_mem>>)
    %dma_wait3A_101 = arith.constant 0 : i32
    %dma_wait3A_102 = arith.constant 0 : i32
    %dma_wait3A_103 = tpu.memref_slice %arg8[%dma_wait3A_101, %dma_wait3A_102] : memref<80x512xf32, #tpu.memory_space<vmem>> -> memref<80x512xf32, #tpu.memory_space<vmem>>
    %dma_wait3A_104 = arith.constant 160 : i32
    %dma_wait3A_105 = tpu.memref_slice %arg5[%dma_wait3A_104] : memref<1024xi32, #tpu.memory_space<vmem>> -> memref<80xi32, #tpu.memory_space<vmem>>
    %dma_wait3A_106 = arith.constant 0 : i32
    %dma_wait3A_107 = arith.constant 0 : i32
    %dma_wait3A_108 = tpu.memref_slice %arg3[%dma_wait3A_106, %dma_wait3A_107] : memref<100000x512xf32, #tpu.memory_space<hbm>> -> memref<100000x512xf32, #tpu.memory_space<hbm>>
    tpu.wait_indirect_dma semaphore(%arg11 : memref<!tpu.dma_semaphore, #tpu.memory_space<semaphore_mem>>) src(%dma_wait3A_108 : memref<100000x512xf32, #tpu.memory_space<hbm>>) dst(%dma_wait3A_103 : memref<80x512xf32, #tpu.memory_space<vmem>>)
    %add3A_109 = arith.constant 160 : i32
    %add3A_110 = arith.addi %mul3A_2, %add3A_109 : i32
    %dma_start3A_111 = arith.constant 0 : i32
    %dma_start3A_112 = arith.constant 0 : i32
    %dma_start3A_113 = tpu.memref_slice %arg8[%dma_start3A_111, %dma_start3A_112] : memref<80x512xf32, #tpu.memory_space<vmem>> -> memref<80x512xf32, #tpu.memory_space<vmem>>
    %dma_start3A_114 = arith.constant 0 : i32
    %dma_start3A_115 = tpu.memref_slice %arg4[%add3A_110, %dma_start3A_114] : memref<32768x512xf32, #tpu.memory_space<hbm>> -> memref<80x512xf32, #tpu.memory_space<hbm>>
    %dma_start3A_116 = arith.constant 0 : i32
    %dma_start3A_117 = tpu.memref_slice %arg4[%add3A_110, %dma_start3A_116] : memref<32768x512xf32, #tpu.memory_space<hbm>> -> memref<80x512xf32, #tpu.memory_space<hbm>>
    %dma_start3A_118 = arith.constant 0 : i32
    %dma_start3A_119 = arith.constant 0 : i32
    %dma_start3A_120 = tpu.memref_slice %arg8[%dma_start3A_118, %dma_start3A_119] : memref<80x512xf32, #tpu.memory_space<vmem>> -> memref<80x512xf32, #tpu.memory_space<vmem>>
    tpu.enqueue_dma source(%dma_start3A_120 : memref<80x512xf32, #tpu.memory_space<vmem>>) target(%dma_start3A_117 : memref<80x512xf32, #tpu.memory_space<hbm>>) target_semaphore(%arg14 : memref<!tpu.dma_semaphore, #tpu.memory_space<semaphore_mem>>)
    %dma_wait3A_121 = arith.constant 0 : i32
    %dma_wait3A_122 = arith.constant 0 : i32
    %dma_wait3A_123 = tpu.memref_slice %arg8[%dma_wait3A_121, %dma_wait3A_122] : memref<80x512xf32, #tpu.memory_space<vmem>> -> memref<80x512xf32, #tpu.memory_space<vmem>>
    %dma_wait3A_124 = arith.constant 0 : i32
    %dma_wait3A_125 = tpu.memref_slice %arg4[%add3A_110, %dma_wait3A_124] : memref<32768x512xf32, #tpu.memory_space<hbm>> -> memref<80x512xf32, #tpu.memory_space<hbm>>
    %dma_wait3A_126 = arith.constant 0 : i32
    %dma_wait3A_127 = tpu.memref_slice %arg4[%add3A_110, %dma_wait3A_126] : memref<32768x512xf32, #tpu.memory_space<hbm>> -> memref<80x512xf32, #tpu.memory_space<hbm>>
    %dma_wait3A_128 = arith.constant 0 : i32
    %dma_wait3A_129 = arith.constant 0 : i32
    %dma_wait3A_130 = tpu.memref_slice %arg8[%dma_wait3A_128, %dma_wait3A_129] : memref<80x512xf32, #tpu.memory_space<vmem>> -> memref<80x512xf32, #tpu.memory_space<vmem>>
    tpu.wait_dma2 semaphore(%arg14 : memref<!tpu.dma_semaphore, #tpu.memory_space<semaphore_mem>>) src(%dma_wait3A_130 : memref<80x512xf32, #tpu.memory_space<vmem>>) dst(%dma_wait3A_127 : memref<80x512xf32, #tpu.memory_space<hbm>>)
    %dma_start3A_131 = arith.constant 0 : i32
    %dma_start3A_132 = arith.constant 0 : i32
    %dma_start3A_133 = tpu.memref_slice %arg8[%dma_start3A_131, %dma_start3A_132] : memref<80x512xf32, #tpu.memory_space<vmem>> -> memref<80x512xf32, #tpu.memory_space<vmem>>
    %dma_start3A_134 = arith.constant 400 : i32
    %dma_start3A_135 = tpu.memref_slice %arg5[%dma_start3A_134] : memref<1024xi32, #tpu.memory_space<vmem>> -> memref<80xi32, #tpu.memory_space<vmem>>
    %dma_start3A_136 = arith.constant 0 : i32
    %dma_start3A_137 = arith.constant 0 : i32
    %dma_start3A_138 = tpu.memref_slice %arg3[%dma_start3A_136, %dma_start3A_137] : memref<100000x512xf32, #tpu.memory_space<hbm>> -> memref<100000x512xf32, #tpu.memory_space<hbm>>
    tpu.enqueue_indirect_dma source(%dma_start3A_138 : memref<100000x512xf32, #tpu.memory_space<hbm>>) target(%dma_start3A_133 : memref<80x512xf32, #tpu.memory_space<vmem>>) offsets(%dma_start3A_135 : memref<80xi32, #tpu.memory_space<vmem>>) semaphore(%arg11 : memref<!tpu.dma_semaphore, #tpu.memory_space<semaphore_mem>>)
    %dma_wait3A_139 = arith.constant 0 : i32
    %dma_wait3A_140 = arith.constant 0 : i32
    %dma_wait3A_141 = tpu.memref_slice %arg6[%dma_wait3A_139, %dma_wait3A_140] : memref<80x512xf32, #tpu.memory_space<vmem>> -> memref<80x512xf32, #tpu.memory_space<vmem>>
    %dma_wait3A_142 = arith.constant 240 : i32
    %dma_wait3A_143 = tpu.memref_slice %arg5[%dma_wait3A_142] : memref<1024xi32, #tpu.memory_space<vmem>> -> memref<80xi32, #tpu.memory_space<vmem>>
    %dma_wait3A_144 = arith.constant 0 : i32
    %dma_wait3A_145 = arith.constant 0 : i32
    %dma_wait3A_146 = tpu.memref_slice %arg3[%dma_wait3A_144, %dma_wait3A_145] : memref<100000x512xf32, #tpu.memory_space<hbm>> -> memref<100000x512xf32, #tpu.memory_space<hbm>>
    tpu.wait_indirect_dma semaphore(%arg9 : memref<!tpu.dma_semaphore, #tpu.memory_space<semaphore_mem>>) src(%dma_wait3A_146 : memref<100000x512xf32, #tpu.memory_space<hbm>>) dst(%dma_wait3A_141 : memref<80x512xf32, #tpu.memory_space<vmem>>)
    %add3A_147 = arith.constant 240 : i32
    %add3A_148 = arith.addi %mul3A_2, %add3A_147 : i32
    %dma_start3A_149 = arith.constant 0 : i32
    %dma_start3A_150 = arith.constant 0 : i32
    %dma_start3A_151 = tpu.memref_slice %arg6[%dma_start3A_149, %dma_start3A_150] : memref<80x512xf32, #tpu.memory_space<vmem>> -> memref<80x512xf32, #tpu.memory_space<vmem>>
    %dma_start3A_152 = arith.constant 0 : i32
    %dma_start3A_153 = tpu.memref_slice %arg4[%add3A_148, %dma_start3A_152] : memref<32768x512xf32, #tpu.memory_space<hbm>> -> memref<80x512xf32, #tpu.memory_space<hbm>>
    %dma_start3A_154 = arith.constant 0 : i32
    %dma_start3A_155 = tpu.memref_slice %arg4[%add3A_148, %dma_start3A_154] : memref<32768x512xf32, #tpu.memory_space<hbm>> -> memref<80x512xf32, #tpu.memory_space<hbm>>
    %dma_start3A_156 = arith.constant 0 : i32
    %dma_start3A_157 = arith.constant 0 : i32
    %dma_start3A_158 = tpu.memref_slice %arg6[%dma_start3A_156, %dma_start3A_157] : memref<80x512xf32, #tpu.memory_space<vmem>> -> memref<80x512xf32, #tpu.memory_space<vmem>>
    tpu.enqueue_dma source(%dma_start3A_158 : memref<80x512xf32, #tpu.memory_space<vmem>>) target(%dma_start3A_155 : memref<80x512xf32, #tpu.memory_space<hbm>>) target_semaphore(%arg12 : memref<!tpu.dma_semaphore, #tpu.memory_space<semaphore_mem>>)
    %dma_wait3A_159 = arith.constant 0 : i32
    %dma_wait3A_160 = arith.constant 0 : i32
    %dma_wait3A_161 = tpu.memref_slice %arg6[%dma_wait3A_159, %dma_wait3A_160] : memref<80x512xf32, #tpu.memory_space<vmem>> -> memref<80x512xf32, #tpu.memory_space<vmem>>
    %dma_wait3A_162 = arith.constant 0 : i32
    %dma_wait3A_163 = tpu.memref_slice %arg4[%add3A_148, %dma_wait3A_162] : memref<32768x512xf32, #tpu.memory_space<hbm>> -> memref<80x512xf32, #tpu.memory_space<hbm>>
    %dma_wait3A_164 = arith.constant 0 : i32
    %dma_wait3A_165 = tpu.memref_slice %arg4[%add3A_148, %dma_wait3A_164] : memref<32768x512xf32, #tpu.memory_space<hbm>> -> memref<80x512xf32, #tpu.memory_space<hbm>>
    %dma_wait3A_166 = arith.constant 0 : i32
    %dma_wait3A_167 = arith.constant 0 : i32
    %dma_wait3A_168 = tpu.memref_slice %arg6[%dma_wait3A_166, %dma_wait3A_167] : memref<80x512xf32, #tpu.memory_space<vmem>> -> memref<80x512xf32, #tpu.memory_space<vmem>>
    tpu.wait_dma2 semaphore(%arg12 : memref<!tpu.dma_semaphore, #tpu.memory_space<semaphore_mem>>) src(%dma_wait3A_168 : memref<80x512xf32, #tpu.memory_space<vmem>>) dst(%dma_wait3A_165 : memref<80x512xf32, #tpu.memory_space<hbm>>)
    %dma_start3A_169 = arith.constant 0 : i32
    %dma_start3A_170 = arith.constant 0 : i32
    %dma_start3A_171 = tpu.memref_slice %arg6[%dma_start3A_169, %dma_start3A_170] : memref<80x512xf32, #tpu.memory_space<vmem>> -> memref<80x512xf32, #tpu.memory_space<vmem>>
    %dma_start3A_172 = arith.constant 480 : i32
    %dma_start3A_173 = tpu.memref_slice %arg5[%dma_start3A_172] : memref<1024xi32, #tpu.memory_space<vmem>> -> memref<80xi32, #tpu.memory_space<vmem>>
    %dma_start3A_174 = arith.constant 0 : i32
    %dma_start3A_175 = arith.constant 0 : i32
    %dma_start3A_176 = tpu.memref_slice %arg3[%dma_start3A_174, %dma_start3A_175] : memref<100000x512xf32, #tpu.memory_space<hbm>> -> memref<100000x512xf32, #tpu.memory_space<hbm>>
    tpu.enqueue_indirect_dma source(%dma_start3A_176 : memref<100000x512xf32, #tpu.memory_space<hbm>>) target(%dma_start3A_171 : memref<80x512xf32, #tpu.memory_space<vmem>>) offsets(%dma_start3A_173 : memref<80xi32, #tpu.memory_space<vmem>>) semaphore(%arg9 : memref<!tpu.dma_semaphore, #tpu.memory_space<semaphore_mem>>)
    %dma_wait3A_177 = arith.constant 0 : i32
    %dma_wait3A_178 = arith.constant 0 : i32
    %dma_wait3A_179 = tpu.memref_slice %arg7[%dma_wait3A_177, %dma_wait3A_178] : memref<80x512xf32, #tpu.memory_space<vmem>> -> memref<80x512xf32, #tpu.memory_space<vmem>>
    %dma_wait3A_180 = arith.constant 320 : i32
    %dma_wait3A_181 = tpu.memref_slice %arg5[%dma_wait3A_180] : memref<1024xi32, #tpu.memory_space<vmem>> -> memref<80xi32, #tpu.memory_space<vmem>>
    %dma_wait3A_182 = arith.constant 0 : i32
    %dma_wait3A_183 = arith.constant 0 : i32
    %dma_wait3A_184 = tpu.memref_slice %arg3[%dma_wait3A_182, %dma_wait3A_183] : memref<100000x512xf32, #tpu.memory_space<hbm>> -> memref<100000x512xf32, #tpu.memory_space<hbm>>
    tpu.wait_indirect_dma semaphore(%arg10 : memref<!tpu.dma_semaphore, #tpu.memory_space<semaphore_mem>>) src(%dma_wait3A_184 : memref<100000x512xf32, #tpu.memory_space<hbm>>) dst(%dma_wait3A_179 : memref<80x512xf32, #tpu.memory_space<vmem>>)
    %add3A_185 = arith.constant 320 : i32
    %add3A_186 = arith.addi %mul3A_2, %add3A_185 : i32
    %dma_start3A_187 = arith.constant 0 : i32
    %dma_start3A_188 = arith.constant 0 : i32
    %dma_start3A_189 = tpu.memref_slice %arg7[%dma_start3A_187, %dma_start3A_188] : memref<80x512xf32, #tpu.memory_space<vmem>> -> memref<80x512xf32, #tpu.memory_space<vmem>>
    %dma_start3A_190 = arith.constant 0 : i32
    %dma_start3A_191 = tpu.memref_slice %arg4[%add3A_186, %dma_start3A_190] : memref<32768x512xf32, #tpu.memory_space<hbm>> -> memref<80x512xf32, #tpu.memory_space<hbm>>
    %dma_start3A_192 = arith.constant 0 : i32
    %dma_start3A_193 = tpu.memref_slice %arg4[%add3A_186, %dma_start3A_192] : memref<32768x512xf32, #tpu.memory_space<hbm>> -> memref<80x512xf32, #tpu.memory_space<hbm>>
    %dma_start3A_194 = arith.constant 0 : i32
    %dma_start3A_195 = arith.constant 0 : i32
    %dma_start3A_196 = tpu.memref_slice %arg7[%dma_start3A_194, %dma_start3A_195] : memref<80x512xf32, #tpu.memory_space<vmem>> -> memref<80x512xf32, #tpu.memory_space<vmem>>
    tpu.enqueue_dma source(%dma_start3A_196 : memref<80x512xf32, #tpu.memory_space<vmem>>) target(%dma_start3A_193 : memref<80x512xf32, #tpu.memory_space<hbm>>) target_semaphore(%arg13 : memref<!tpu.dma_semaphore, #tpu.memory_space<semaphore_mem>>)
    %dma_wait3A_197 = arith.constant 0 : i32
    %dma_wait3A_198 = arith.constant 0 : i32
    %dma_wait3A_199 = tpu.memref_slice %arg7[%dma_wait3A_197, %dma_wait3A_198] : memref<80x512xf32, #tpu.memory_space<vmem>> -> memref<80x512xf32, #tpu.memory_space<vmem>>
    %dma_wait3A_200 = arith.constant 0 : i32
    %dma_wait3A_201 = tpu.memref_slice %arg4[%add3A_186, %dma_wait3A_200] : memref<32768x512xf32, #tpu.memory_space<hbm>> -> memref<80x512xf32, #tpu.memory_space<hbm>>
    %dma_wait3A_202 = arith.constant 0 : i32
    %dma_wait3A_203 = tpu.memref_slice %arg4[%add3A_186, %dma_wait3A_202] : memref<32768x512xf32, #tpu.memory_space<hbm>> -> memref<80x512xf32, #tpu.memory_space<hbm>>
    %dma_wait3A_204 = arith.constant 0 : i32
    %dma_wait3A_205 = arith.constant 0 : i32
    %dma_wait3A_206 = tpu.memref_slice %arg7[%dma_wait3A_204, %dma_wait3A_205] : memref<80x512xf32, #tpu.memory_space<vmem>> -> memref<80x512xf32, #tpu.memory_space<vmem>>
    tpu.wait_dma2 semaphore(%arg13 : memref<!tpu.dma_semaphore, #tpu.memory_space<semaphore_mem>>) src(%dma_wait3A_206 : memref<80x512xf32, #tpu.memory_space<vmem>>) dst(%dma_wait3A_203 : memref<80x512xf32, #tpu.memory_space<hbm>>)
    %dma_start3A_207 = arith.constant 0 : i32
    %dma_start3A_208 = arith.constant 0 : i32
    %dma_start3A_209 = tpu.memref_slice %arg7[%dma_start3A_207, %dma_start3A_208] : memref<80x512xf32, #tpu.memory_space<vmem>> -> memref<80x512xf32, #tpu.memory_space<vmem>>
    %dma_start3A_210 = arith.constant 560 : i32
    %dma_start3A_211 = tpu.memref_slice %arg5[%dma_start3A_210] : memref<1024xi32, #tpu.memory_space<vmem>> -> memref<80xi32, #tpu.memory_space<vmem>>
    %dma_start3A_212 = arith.constant 0 : i32
    %dma_start3A_213 = arith.constant 0 : i32
    %dma_start3A_214 = tpu.memref_slice %arg3[%dma_start3A_212, %dma_start3A_213] : memref<100000x512xf32, #tpu.memory_space<hbm>> -> memref<100000x512xf32, #tpu.memory_space<hbm>>
    tpu.enqueue_indirect_dma source(%dma_start3A_214 : memref<100000x512xf32, #tpu.memory_space<hbm>>) target(%dma_start3A_209 : memref<80x512xf32, #tpu.memory_space<vmem>>) offsets(%dma_start3A_211 : memref<80xi32, #tpu.memory_space<vmem>>) semaphore(%arg10 : memref<!tpu.dma_semaphore, #tpu.memory_space<semaphore_mem>>)
    %dma_wait3A_215 = arith.constant 0 : i32
    %dma_wait3A_216 = arith.constant 0 : i32
    %dma_wait3A_217 = tpu.memref_slice %arg8[%dma_wait3A_215, %dma_wait3A_216] : memref<80x512xf32, #tpu.memory_space<vmem>> -> memref<80x512xf32, #tpu.memory_space<vmem>>
    %dma_wait3A_218 = arith.constant 400 : i32
    %dma_wait3A_219 = tpu.memref_slice %arg5[%dma_wait3A_218] : memref<1024xi32, #tpu.memory_space<vmem>> -> memref<80xi32, #tpu.memory_space<vmem>>
    %dma_wait3A_220 = arith.constant 0 : i32
    %dma_wait3A_221 = arith.constant 0 : i32
    %dma_wait3A_222 = tpu.memref_slice %arg3[%dma_wait3A_220, %dma_wait3A_221] : memref<100000x512xf32, #tpu.memory_space<hbm>> -> memref<100000x512xf32, #tpu.memory_space<hbm>>
    tpu.wait_indirect_dma semaphore(%arg11 : memref<!tpu.dma_semaphore, #tpu.memory_space<semaphore_mem>>) src(%dma_wait3A_222 : memref<100000x512xf32, #tpu.memory_space<hbm>>) dst(%dma_wait3A_217 : memref<80x512xf32, #tpu.memory_space<vmem>>)
    %add3A_223 = arith.constant 400 : i32
    %add3A_224 = arith.addi %mul3A_2, %add3A_223 : i32
    %dma_start3A_225 = arith.constant 0 : i32
    %dma_start3A_226 = arith.constant 0 : i32
    %dma_start3A_227 = tpu.memref_slice %arg8[%dma_start3A_225, %dma_start3A_226] : memref<80x512xf32, #tpu.memory_space<vmem>> -> memref<80x512xf32, #tpu.memory_space<vmem>>
    %dma_start3A_228 = arith.constant 0 : i32
    %dma_start3A_229 = tpu.memref_slice %arg4[%add3A_224, %dma_start3A_228] : memref<32768x512xf32, #tpu.memory_space<hbm>> -> memref<80x512xf32, #tpu.memory_space<hbm>>
    %dma_start3A_230 = arith.constant 0 : i32
    %dma_start3A_231 = tpu.memref_slice %arg4[%add3A_224, %dma_start3A_230] : memref<32768x512xf32, #tpu.memory_space<hbm>> -> memref<80x512xf32, #tpu.memory_space<hbm>>
    %dma_start3A_232 = arith.constant 0 : i32
    %dma_start3A_233 = arith.constant 0 : i32
    %dma_start3A_234 = tpu.memref_slice %arg8[%dma_start3A_232, %dma_start3A_233] : memref<80x512xf32, #tpu.memory_space<vmem>> -> memref<80x512xf32, #tpu.memory_space<vmem>>
    tpu.enqueue_dma source(%dma_start3A_234 : memref<80x512xf32, #tpu.memory_space<vmem>>) target(%dma_start3A_231 : memref<80x512xf32, #tpu.memory_space<hbm>>) target_semaphore(%arg14 : memref<!tpu.dma_semaphore, #tpu.memory_space<semaphore_mem>>)
    %dma_wait3A_235 = arith.constant 0 : i32
    %dma_wait3A_236 = arith.constant 0 : i32
    %dma_wait3A_237 = tpu.memref_slice %arg8[%dma_wait3A_235, %dma_wait3A_236] : memref<80x512xf32, #tpu.memory_space<vmem>> -> memref<80x512xf32, #tpu.memory_space<vmem>>
    %dma_wait3A_238 = arith.constant 0 : i32
    %dma_wait3A_239 = tpu.memref_slice %arg4[%add3A_224, %dma_wait3A_238] : memref<32768x512xf32, #tpu.memory_space<hbm>> -> memref<80x512xf32, #tpu.memory_space<hbm>>
    %dma_wait3A_240 = arith.constant 0 : i32
    %dma_wait3A_241 = tpu.memref_slice %arg4[%add3A_224, %dma_wait3A_240] : memref<32768x512xf32, #tpu.memory_space<hbm>> -> memref<80x512xf32, #tpu.memory_space<hbm>>
    %dma_wait3A_242 = arith.constant 0 : i32
    %dma_wait3A_243 = arith.constant 0 : i32
    %dma_wait3A_244 = tpu.memref_slice %arg8[%dma_wait3A_242, %dma_wait3A_243] : memref<80x512xf32, #tpu.memory_space<vmem>> -> memref<80x512xf32, #tpu.memory_space<vmem>>
    tpu.wait_dma2 semaphore(%arg14 : memref<!tpu.dma_semaphore, #tpu.memory_space<semaphore_mem>>) src(%dma_wait3A_244 : memref<80x512xf32, #tpu.memory_space<vmem>>) dst(%dma_wait3A_241 : memref<80x512xf32, #tpu.memory_space<hbm>>)
    %dma_start3A_245 = arith.constant 0 : i32
    %dma_start3A_246 = arith.constant 0 : i32
    %dma_start3A_247 = tpu.memref_slice %arg8[%dma_start3A_245, %dma_start3A_246] : memref<80x512xf32, #tpu.memory_space<vmem>> -> memref<80x512xf32, #tpu.memory_space<vmem>>
    %dma_start3A_248 = arith.constant 640 : i32
    %dma_start3A_249 = tpu.memref_slice %arg5[%dma_start3A_248] : memref<1024xi32, #tpu.memory_space<vmem>> -> memref<80xi32, #tpu.memory_space<vmem>>
    %dma_start3A_250 = arith.constant 0 : i32
    %dma_start3A_251 = arith.constant 0 : i32
    %dma_start3A_252 = tpu.memref_slice %arg3[%dma_start3A_250, %dma_start3A_251] : memref<100000x512xf32, #tpu.memory_space<hbm>> -> memref<100000x512xf32, #tpu.memory_space<hbm>>
    tpu.enqueue_indirect_dma source(%dma_start3A_252 : memref<100000x512xf32, #tpu.memory_space<hbm>>) target(%dma_start3A_247 : memref<80x512xf32, #tpu.memory_space<vmem>>) offsets(%dma_start3A_249 : memref<80xi32, #tpu.memory_space<vmem>>) semaphore(%arg11 : memref<!tpu.dma_semaphore, #tpu.memory_space<semaphore_mem>>)
    %dma_wait3A_253 = arith.constant 0 : i32
    %dma_wait3A_254 = arith.constant 0 : i32
    %dma_wait3A_255 = tpu.memref_slice %arg6[%dma_wait3A_253, %dma_wait3A_254] : memref<80x512xf32, #tpu.memory_space<vmem>> -> memref<80x512xf32, #tpu.memory_space<vmem>>
    %dma_wait3A_256 = arith.constant 480 : i32
    %dma_wait3A_257 = tpu.memref_slice %arg5[%dma_wait3A_256] : memref<1024xi32, #tpu.memory_space<vmem>> -> memref<80xi32, #tpu.memory_space<vmem>>
    %dma_wait3A_258 = arith.constant 0 : i32
    %dma_wait3A_259 = arith.constant 0 : i32
    %dma_wait3A_260 = tpu.memref_slice %arg3[%dma_wait3A_258, %dma_wait3A_259] : memref<100000x512xf32, #tpu.memory_space<hbm>> -> memref<100000x512xf32, #tpu.memory_space<hbm>>
    tpu.wait_indirect_dma semaphore(%arg9 : memref<!tpu.dma_semaphore, #tpu.memory_space<semaphore_mem>>) src(%dma_wait3A_260 : memref<100000x512xf32, #tpu.memory_space<hbm>>) dst(%dma_wait3A_255 : memref<80x512xf32, #tpu.memory_space<vmem>>)
    %add3A_261 = arith.constant 480 : i32
    %add3A_262 = arith.addi %mul3A_2, %add3A_261 : i32
    %dma_start3A_263 = arith.constant 0 : i32
    %dma_start3A_264 = arith.constant 0 : i32
    %dma_start3A_265 = tpu.memref_slice %arg6[%dma_start3A_263, %dma_start3A_264] : memref<80x512xf32, #tpu.memory_space<vmem>> -> memref<80x512xf32, #tpu.memory_space<vmem>>
    %dma_start3A_266 = arith.constant 0 : i32
    %dma_start3A_267 = tpu.memref_slice %arg4[%add3A_262, %dma_start3A_266] : memref<32768x512xf32, #tpu.memory_space<hbm>> -> memref<80x512xf32, #tpu.memory_space<hbm>>
    %dma_start3A_268 = arith.constant 0 : i32
    %dma_start3A_269 = tpu.memref_slice %arg4[%add3A_262, %dma_start3A_268] : memref<32768x512xf32, #tpu.memory_space<hbm>> -> memref<80x512xf32, #tpu.memory_space<hbm>>
    %dma_start3A_270 = arith.constant 0 : i32
    %dma_start3A_271 = arith.constant 0 : i32
    %dma_start3A_272 = tpu.memref_slice %arg6[%dma_start3A_270, %dma_start3A_271] : memref<80x512xf32, #tpu.memory_space<vmem>> -> memref<80x512xf32, #tpu.memory_space<vmem>>
    tpu.enqueue_dma source(%dma_start3A_272 : memref<80x512xf32, #tpu.memory_space<vmem>>) target(%dma_start3A_269 : memref<80x512xf32, #tpu.memory_space<hbm>>) target_semaphore(%arg12 : memref<!tpu.dma_semaphore, #tpu.memory_space<semaphore_mem>>)
    %dma_wait3A_273 = arith.constant 0 : i32
    %dma_wait3A_274 = arith.constant 0 : i32
    %dma_wait3A_275 = tpu.memref_slice %arg6[%dma_wait3A_273, %dma_wait3A_274] : memref<80x512xf32, #tpu.memory_space<vmem>> -> memref<80x512xf32, #tpu.memory_space<vmem>>
    %dma_wait3A_276 = arith.constant 0 : i32
    %dma_wait3A_277 = tpu.memref_slice %arg4[%add3A_262, %dma_wait3A_276] : memref<32768x512xf32, #tpu.memory_space<hbm>> -> memref<80x512xf32, #tpu.memory_space<hbm>>
    %dma_wait3A_278 = arith.constant 0 : i32
    %dma_wait3A_279 = tpu.memref_slice %arg4[%add3A_262, %dma_wait3A_278] : memref<32768x512xf32, #tpu.memory_space<hbm>> -> memref<80x512xf32, #tpu.memory_space<hbm>>
    %dma_wait3A_280 = arith.constant 0 : i32
    %dma_wait3A_281 = arith.constant 0 : i32
    %dma_wait3A_282 = tpu.memref_slice %arg6[%dma_wait3A_280, %dma_wait3A_281] : memref<80x512xf32, #tpu.memory_space<vmem>> -> memref<80x512xf32, #tpu.memory_space<vmem>>
    tpu.wait_dma2 semaphore(%arg12 : memref<!tpu.dma_semaphore, #tpu.memory_space<semaphore_mem>>) src(%dma_wait3A_282 : memref<80x512xf32, #tpu.memory_space<vmem>>) dst(%dma_wait3A_279 : memref<80x512xf32, #tpu.memory_space<hbm>>)
    %dma_start3A_283 = arith.constant 0 : i32
    %dma_start3A_284 = arith.constant 0 : i32
    %dma_start3A_285 = tpu.memref_slice %arg6[%dma_start3A_283, %dma_start3A_284] : memref<80x512xf32, #tpu.memory_space<vmem>> -> memref<80x512xf32, #tpu.memory_space<vmem>>
    %dma_start3A_286 = arith.constant 720 : i32
    %dma_start3A_287 = tpu.memref_slice %arg5[%dma_start3A_286] : memref<1024xi32, #tpu.memory_space<vmem>> -> memref<80xi32, #tpu.memory_space<vmem>>
    %dma_start3A_288 = arith.constant 0 : i32
    %dma_start3A_289 = arith.constant 0 : i32
    %dma_start3A_290 = tpu.memref_slice %arg3[%dma_start3A_288, %dma_start3A_289] : memref<100000x512xf32, #tpu.memory_space<hbm>> -> memref<100000x512xf32, #tpu.memory_space<hbm>>
    tpu.enqueue_indirect_dma source(%dma_start3A_290 : memref<100000x512xf32, #tpu.memory_space<hbm>>) target(%dma_start3A_285 : memref<80x512xf32, #tpu.memory_space<vmem>>) offsets(%dma_start3A_287 : memref<80xi32, #tpu.memory_space<vmem>>) semaphore(%arg9 : memref<!tpu.dma_semaphore, #tpu.memory_space<semaphore_mem>>)
    %dma_wait3A_291 = arith.constant 0 : i32
    %dma_wait3A_292 = arith.constant 0 : i32
    %dma_wait3A_293 = tpu.memref_slice %arg7[%dma_wait3A_291, %dma_wait3A_292] : memref<80x512xf32, #tpu.memory_space<vmem>> -> memref<80x512xf32, #tpu.memory_space<vmem>>
    %dma_wait3A_294 = arith.constant 560 : i32
    %dma_wait3A_295 = tpu.memref_slice %arg5[%dma_wait3A_294] : memref<1024xi32, #tpu.memory_space<vmem>> -> memref<80xi32, #tpu.memory_space<vmem>>
    %dma_wait3A_296 = arith.constant 0 : i32
    %dma_wait3A_297 = arith.constant 0 : i32
    %dma_wait3A_298 = tpu.memref_slice %arg3[%dma_wait3A_296, %dma_wait3A_297] : memref<100000x512xf32, #tpu.memory_space<hbm>> -> memref<100000x512xf32, #tpu.memory_space<hbm>>
    tpu.wait_indirect_dma semaphore(%arg10 : memref<!tpu.dma_semaphore, #tpu.memory_space<semaphore_mem>>) src(%dma_wait3A_298 : memref<100000x512xf32, #tpu.memory_space<hbm>>) dst(%dma_wait3A_293 : memref<80x512xf32, #tpu.memory_space<vmem>>)
    %add3A_299 = arith.constant 560 : i32
    %add3A_300 = arith.addi %mul3A_2, %add3A_299 : i32
    %dma_start3A_301 = arith.constant 0 : i32
    %dma_start3A_302 = arith.constant 0 : i32
    %dma_start3A_303 = tpu.memref_slice %arg7[%dma_start3A_301, %dma_start3A_302] : memref<80x512xf32, #tpu.memory_space<vmem>> -> memref<80x512xf32, #tpu.memory_space<vmem>>
    %dma_start3A_304 = arith.constant 0 : i32
    %dma_start3A_305 = tpu.memref_slice %arg4[%add3A_300, %dma_start3A_304] : memref<32768x512xf32, #tpu.memory_space<hbm>> -> memref<80x512xf32, #tpu.memory_space<hbm>>
    %dma_start3A_306 = arith.constant 0 : i32
    %dma_start3A_307 = tpu.memref_slice %arg4[%add3A_300, %dma_start3A_306] : memref<32768x512xf32, #tpu.memory_space<hbm>> -> memref<80x512xf32, #tpu.memory_space<hbm>>
    %dma_start3A_308 = arith.constant 0 : i32
    %dma_start3A_309 = arith.constant 0 : i32
    %dma_start3A_310 = tpu.memref_slice %arg7[%dma_start3A_308, %dma_start3A_309] : memref<80x512xf32, #tpu.memory_space<vmem>> -> memref<80x512xf32, #tpu.memory_space<vmem>>
    tpu.enqueue_dma source(%dma_start3A_310 : memref<80x512xf32, #tpu.memory_space<vmem>>) target(%dma_start3A_307 : memref<80x512xf32, #tpu.memory_space<hbm>>) target_semaphore(%arg13 : memref<!tpu.dma_semaphore, #tpu.memory_space<semaphore_mem>>)
    %dma_wait3A_311 = arith.constant 0 : i32
    %dma_wait3A_312 = arith.constant 0 : i32
    %dma_wait3A_313 = tpu.memref_slice %arg7[%dma_wait3A_311, %dma_wait3A_312] : memref<80x512xf32, #tpu.memory_space<vmem>> -> memref<80x512xf32, #tpu.memory_space<vmem>>
    %dma_wait3A_314 = arith.constant 0 : i32
    %dma_wait3A_315 = tpu.memref_slice %arg4[%add3A_300, %dma_wait3A_314] : memref<32768x512xf32, #tpu.memory_space<hbm>> -> memref<80x512xf32, #tpu.memory_space<hbm>>
    %dma_wait3A_316 = arith.constant 0 : i32
    %dma_wait3A_317 = tpu.memref_slice %arg4[%add3A_300, %dma_wait3A_316] : memref<32768x512xf32, #tpu.memory_space<hbm>> -> memref<80x512xf32, #tpu.memory_space<hbm>>
    %dma_wait3A_318 = arith.constant 0 : i32
    %dma_wait3A_319 = arith.constant 0 : i32
    %dma_wait3A_320 = tpu.memref_slice %arg7[%dma_wait3A_318, %dma_wait3A_319] : memref<80x512xf32, #tpu.memory_space<vmem>> -> memref<80x512xf32, #tpu.memory_space<vmem>>
    tpu.wait_dma2 semaphore(%arg13 : memref<!tpu.dma_semaphore, #tpu.memory_space<semaphore_mem>>) src(%dma_wait3A_320 : memref<80x512xf32, #tpu.memory_space<vmem>>) dst(%dma_wait3A_317 : memref<80x512xf32, #tpu.memory_space<hbm>>)
    %dma_start3A_321 = arith.constant 0 : i32
    %dma_start3A_322 = arith.constant 0 : i32
    %dma_start3A_323 = tpu.memref_slice %arg7[%dma_start3A_321, %dma_start3A_322] : memref<80x512xf32, #tpu.memory_space<vmem>> -> memref<80x512xf32, #tpu.memory_space<vmem>>
    %dma_start3A_324 = arith.constant 800 : i32
    %dma_start3A_325 = tpu.memref_slice %arg5[%dma_start3A_324] : memref<1024xi32, #tpu.memory_space<vmem>> -> memref<80xi32, #tpu.memory_space<vmem>>
    %dma_start3A_326 = arith.constant 0 : i32
    %dma_start3A_327 = arith.constant 0 : i32
    %dma_start3A_328 = tpu.memref_slice %arg3[%dma_start3A_326, %dma_start3A_327] : memref<100000x512xf32, #tpu.memory_space<hbm>> -> memref<100000x512xf32, #tpu.memory_space<hbm>>
    tpu.enqueue_indirect_dma source(%dma_start3A_328 : memref<100000x512xf32, #tpu.memory_space<hbm>>) target(%dma_start3A_323 : memref<80x512xf32, #tpu.memory_space<vmem>>) offsets(%dma_start3A_325 : memref<80xi32, #tpu.memory_space<vmem>>) semaphore(%arg10 : memref<!tpu.dma_semaphore, #tpu.memory_space<semaphore_mem>>)
    %dma_wait3A_329 = arith.constant 0 : i32
    %dma_wait3A_330 = arith.constant 0 : i32
    %dma_wait3A_331 = tpu.memref_slice %arg8[%dma_wait3A_329, %dma_wait3A_330] : memref<80x512xf32, #tpu.memory_space<vmem>> -> memref<80x512xf32, #tpu.memory_space<vmem>>
    %dma_wait3A_332 = arith.constant 640 : i32
    %dma_wait3A_333 = tpu.memref_slice %arg5[%dma_wait3A_332] : memref<1024xi32, #tpu.memory_space<vmem>> -> memref<80xi32, #tpu.memory_space<vmem>>
    %dma_wait3A_334 = arith.constant 0 : i32
    %dma_wait3A_335 = arith.constant 0 : i32
    %dma_wait3A_336 = tpu.memref_slice %arg3[%dma_wait3A_334, %dma_wait3A_335] : memref<100000x512xf32, #tpu.memory_space<hbm>> -> memref<100000x512xf32, #tpu.memory_space<hbm>>
    tpu.wait_indirect_dma semaphore(%arg11 : memref<!tpu.dma_semaphore, #tpu.memory_space<semaphore_mem>>) src(%dma_wait3A_336 : memref<100000x512xf32, #tpu.memory_space<hbm>>) dst(%dma_wait3A_331 : memref<80x512xf32, #tpu.memory_space<vmem>>)
    %add3A_337 = arith.constant 640 : i32
    %add3A_338 = arith.addi %mul3A_2, %add3A_337 : i32
    %dma_start3A_339 = arith.constant 0 : i32
    %dma_start3A_340 = arith.constant 0 : i32
    %dma_start3A_341 = tpu.memref_slice %arg8[%dma_start3A_339, %dma_start3A_340] : memref<80x512xf32, #tpu.memory_space<vmem>> -> memref<80x512xf32, #tpu.memory_space<vmem>>
    %dma_start3A_342 = arith.constant 0 : i32
    %dma_start3A_343 = tpu.memref_slice %arg4[%add3A_338, %dma_start3A_342] : memref<32768x512xf32, #tpu.memory_space<hbm>> -> memref<80x512xf32, #tpu.memory_space<hbm>>
    %dma_start3A_344 = arith.constant 0 : i32
    %dma_start3A_345 = tpu.memref_slice %arg4[%add3A_338, %dma_start3A_344] : memref<32768x512xf32, #tpu.memory_space<hbm>> -> memref<80x512xf32, #tpu.memory_space<hbm>>
    %dma_start3A_346 = arith.constant 0 : i32
    %dma_start3A_347 = arith.constant 0 : i32
    %dma_start3A_348 = tpu.memref_slice %arg8[%dma_start3A_346, %dma_start3A_347] : memref<80x512xf32, #tpu.memory_space<vmem>> -> memref<80x512xf32, #tpu.memory_space<vmem>>
    tpu.enqueue_dma source(%dma_start3A_348 : memref<80x512xf32, #tpu.memory_space<vmem>>) target(%dma_start3A_345 : memref<80x512xf32, #tpu.memory_space<hbm>>) target_semaphore(%arg14 : memref<!tpu.dma_semaphore, #tpu.memory_space<semaphore_mem>>)
    %dma_wait3A_349 = arith.constant 0 : i32
    %dma_wait3A_350 = arith.constant 0 : i32
    %dma_wait3A_351 = tpu.memref_slice %arg8[%dma_wait3A_349, %dma_wait3A_350] : memref<80x512xf32, #tpu.memory_space<vmem>> -> memref<80x512xf32, #tpu.memory_space<vmem>>
    %dma_wait3A_352 = arith.constant 0 : i32
    %dma_wait3A_353 = tpu.memref_slice %arg4[%add3A_338, %dma_wait3A_352] : memref<32768x512xf32, #tpu.memory_space<hbm>> -> memref<80x512xf32, #tpu.memory_space<hbm>>
    %dma_wait3A_354 = arith.constant 0 : i32
    %dma_wait3A_355 = tpu.memref_slice %arg4[%add3A_338, %dma_wait3A_354] : memref<32768x512xf32, #tpu.memory_space<hbm>> -> memref<80x512xf32, #tpu.memory_space<hbm>>
    %dma_wait3A_356 = arith.constant 0 : i32
    %dma_wait3A_357 = arith.constant 0 : i32
    %dma_wait3A_358 = tpu.memref_slice %arg8[%dma_wait3A_356, %dma_wait3A_357] : memref<80x512xf32, #tpu.memory_space<vmem>> -> memref<80x512xf32, #tpu.memory_space<vmem>>
    tpu.wait_dma2 semaphore(%arg14 : memref<!tpu.dma_semaphore, #tpu.memory_space<semaphore_mem>>) src(%dma_wait3A_358 : memref<80x512xf32, #tpu.memory_space<vmem>>) dst(%dma_wait3A_355 : memref<80x512xf32, #tpu.memory_space<hbm>>)
    %dma_start3A_359 = arith.constant 0 : i32
    %dma_start3A_360 = arith.constant 0 : i32
    %dma_start3A_361 = tpu.memref_slice %arg8[%dma_start3A_359, %dma_start3A_360] : memref<80x512xf32, #tpu.memory_space<vmem>> -> memref<80x512xf32, #tpu.memory_space<vmem>>
    %dma_start3A_362 = arith.constant 880 : i32
    %dma_start3A_363 = tpu.memref_slice %arg5[%dma_start3A_362] : memref<1024xi32, #tpu.memory_space<vmem>> -> memref<80xi32, #tpu.memory_space<vmem>>
    %dma_start3A_364 = arith.constant 0 : i32
    %dma_start3A_365 = arith.constant 0 : i32
    %dma_start3A_366 = tpu.memref_slice %arg3[%dma_start3A_364, %dma_start3A_365] : memref<100000x512xf32, #tpu.memory_space<hbm>> -> memref<100000x512xf32, #tpu.memory_space<hbm>>
    tpu.enqueue_indirect_dma source(%dma_start3A_366 : memref<100000x512xf32, #tpu.memory_space<hbm>>) target(%dma_start3A_361 : memref<80x512xf32, #tpu.memory_space<vmem>>) offsets(%dma_start3A_363 : memref<80xi32, #tpu.memory_space<vmem>>) semaphore(%arg11 : memref<!tpu.dma_semaphore, #tpu.memory_space<semaphore_mem>>)
    %dma_wait3A_367 = arith.constant 0 : i32
    %dma_wait3A_368 = arith.constant 0 : i32
    %dma_wait3A_369 = tpu.memref_slice %arg6[%dma_wait3A_367, %dma_wait3A_368] : memref<80x512xf32, #tpu.memory_space<vmem>> -> memref<80x512xf32, #tpu.memory_space<vmem>>
    %dma_wait3A_370 = arith.constant 720 : i32
    %dma_wait3A_371 = tpu.memref_slice %arg5[%dma_wait3A_370] : memref<1024xi32, #tpu.memory_space<vmem>> -> memref<80xi32, #tpu.memory_space<vmem>>
    %dma_wait3A_372 = arith.constant 0 : i32
    %dma_wait3A_373 = arith.constant 0 : i32
    %dma_wait3A_374 = tpu.memref_slice %arg3[%dma_wait3A_372, %dma_wait3A_373] : memref<100000x512xf32, #tpu.memory_space<hbm>> -> memref<100000x512xf32, #tpu.memory_space<hbm>>
    tpu.wait_indirect_dma semaphore(%arg9 : memref<!tpu.dma_semaphore, #tpu.memory_space<semaphore_mem>>) src(%dma_wait3A_374 : memref<100000x512xf32, #tpu.memory_space<hbm>>) dst(%dma_wait3A_369 : memref<80x512xf32, #tpu.memory_space<vmem>>)
    %add3A_375 = arith.constant 720 : i32
    %add3A_376 = arith.addi %mul3A_2, %add3A_375 : i32
    %dma_start3A_377 = arith.constant 0 : i32
    %dma_start3A_378 = arith.constant 0 : i32
    %dma_start3A_379 = tpu.memref_slice %arg6[%dma_start3A_377, %dma_start3A_378] : memref<80x512xf32, #tpu.memory_space<vmem>> -> memref<80x512xf32, #tpu.memory_space<vmem>>
    %dma_start3A_380 = arith.constant 0 : i32
    %dma_start3A_381 = tpu.memref_slice %arg4[%add3A_376, %dma_start3A_380] : memref<32768x512xf32, #tpu.memory_space<hbm>> -> memref<80x512xf32, #tpu.memory_space<hbm>>
    %dma_start3A_382 = arith.constant 0 : i32
    %dma_start3A_383 = tpu.memref_slice %arg4[%add3A_376, %dma_start3A_382] : memref<32768x512xf32, #tpu.memory_space<hbm>> -> memref<80x512xf32, #tpu.memory_space<hbm>>
    %dma_start3A_384 = arith.constant 0 : i32
    %dma_start3A_385 = arith.constant 0 : i32
    %dma_start3A_386 = tpu.memref_slice %arg6[%dma_start3A_384, %dma_start3A_385] : memref<80x512xf32, #tpu.memory_space<vmem>> -> memref<80x512xf32, #tpu.memory_space<vmem>>
    tpu.enqueue_dma source(%dma_start3A_386 : memref<80x512xf32, #tpu.memory_space<vmem>>) target(%dma_start3A_383 : memref<80x512xf32, #tpu.memory_space<hbm>>) target_semaphore(%arg12 : memref<!tpu.dma_semaphore, #tpu.memory_space<semaphore_mem>>)
    %dma_wait3A_387 = arith.constant 0 : i32
    %dma_wait3A_388 = arith.constant 0 : i32
    %dma_wait3A_389 = tpu.memref_slice %arg6[%dma_wait3A_387, %dma_wait3A_388] : memref<80x512xf32, #tpu.memory_space<vmem>> -> memref<80x512xf32, #tpu.memory_space<vmem>>
    %dma_wait3A_390 = arith.constant 0 : i32
    %dma_wait3A_391 = tpu.memref_slice %arg4[%add3A_376, %dma_wait3A_390] : memref<32768x512xf32, #tpu.memory_space<hbm>> -> memref<80x512xf32, #tpu.memory_space<hbm>>
    %dma_wait3A_392 = arith.constant 0 : i32
    %dma_wait3A_393 = tpu.memref_slice %arg4[%add3A_376, %dma_wait3A_392] : memref<32768x512xf32, #tpu.memory_space<hbm>> -> memref<80x512xf32, #tpu.memory_space<hbm>>
    %dma_wait3A_394 = arith.constant 0 : i32
    %dma_wait3A_395 = arith.constant 0 : i32
    %dma_wait3A_396 = tpu.memref_slice %arg6[%dma_wait3A_394, %dma_wait3A_395] : memref<80x512xf32, #tpu.memory_space<vmem>> -> memref<80x512xf32, #tpu.memory_space<vmem>>
    tpu.wait_dma2 semaphore(%arg12 : memref<!tpu.dma_semaphore, #tpu.memory_space<semaphore_mem>>) src(%dma_wait3A_396 : memref<80x512xf32, #tpu.memory_space<vmem>>) dst(%dma_wait3A_393 : memref<80x512xf32, #tpu.memory_space<hbm>>)
    %dma_start3A_397 = arith.constant 0 : i32
    %dma_start3A_398 = arith.constant 0 : i32
    %dma_start3A_399 = tpu.memref_slice %arg6[%dma_start3A_397, %dma_start3A_398] : memref<80x512xf32, #tpu.memory_space<vmem>> -> memref<64x512xf32, #tpu.memory_space<vmem>>
    %dma_start3A_400 = arith.constant 960 : i32
    %dma_start3A_401 = tpu.memref_slice %arg5[%dma_start3A_400] : memref<1024xi32, #tpu.memory_space<vmem>> -> memref<64xi32, #tpu.memory_space<vmem>>
    %dma_start3A_402 = arith.constant 0 : i32
    %dma_start3A_403 = arith.constant 0 : i32
    %dma_start3A_404 = tpu.memref_slice %arg3[%dma_start3A_402, %dma_start3A_403] : memref<100000x512xf32, #tpu.memory_space<hbm>> -> memref<100000x512xf32, #tpu.memory_space<hbm>>
    tpu.enqueue_indirect_dma source(%dma_start3A_404 : memref<100000x512xf32, #tpu.memory_space<hbm>>) target(%dma_start3A_399 : memref<64x512xf32, #tpu.memory_space<vmem>>) offsets(%dma_start3A_401 : memref<64xi32, #tpu.memory_space<vmem>>) semaphore(%arg9 : memref<!tpu.dma_semaphore, #tpu.memory_space<semaphore_mem>>)
    %dma_wait3A_405 = arith.constant 0 : i32
    %dma_wait3A_406 = arith.constant 0 : i32
    %dma_wait3A_407 = tpu.memref_slice %arg7[%dma_wait3A_405, %dma_wait3A_406] : memref<80x512xf32, #tpu.memory_space<vmem>> -> memref<80x512xf32, #tpu.memory_space<vmem>>
    %dma_wait3A_408 = arith.constant 800 : i32
    %dma_wait3A_409 = tpu.memref_slice %arg5[%dma_wait3A_408] : memref<1024xi32, #tpu.memory_space<vmem>> -> memref<80xi32, #tpu.memory_space<vmem>>
    %dma_wait3A_410 = arith.constant 0 : i32
    %dma_wait3A_411 = arith.constant 0 : i32
    %dma_wait3A_412 = tpu.memref_slice %arg3[%dma_wait3A_410, %dma_wait3A_411] : memref<100000x512xf32, #tpu.memory_space<hbm>> -> memref<100000x512xf32, #tpu.memory_space<hbm>>
    tpu.wait_indirect_dma semaphore(%arg10 : memref<!tpu.dma_semaphore, #tpu.memory_space<semaphore_mem>>) src(%dma_wait3A_412 : memref<100000x512xf32, #tpu.memory_space<hbm>>) dst(%dma_wait3A_407 : memref<80x512xf32, #tpu.memory_space<vmem>>)
    %add3A_413 = arith.constant 800 : i32
    %add3A_414 = arith.addi %mul3A_2, %add3A_413 : i32
    %dma_start3A_415 = arith.constant 0 : i32
    %dma_start3A_416 = arith.constant 0 : i32
    %dma_start3A_417 = tpu.memref_slice %arg7[%dma_start3A_415, %dma_start3A_416] : memref<80x512xf32, #tpu.memory_space<vmem>> -> memref<80x512xf32, #tpu.memory_space<vmem>>
    %dma_start3A_418 = arith.constant 0 : i32
    %dma_start3A_419 = tpu.memref_slice %arg4[%add3A_414, %dma_start3A_418] : memref<32768x512xf32, #tpu.memory_space<hbm>> -> memref<80x512xf32, #tpu.memory_space<hbm>>
    %dma_start3A_420 = arith.constant 0 : i32
    %dma_start3A_421 = tpu.memref_slice %arg4[%add3A_414, %dma_start3A_420] : memref<32768x512xf32, #tpu.memory_space<hbm>> -> memref<80x512xf32, #tpu.memory_space<hbm>>
    %dma_start3A_422 = arith.constant 0 : i32
    %dma_start3A_423 = arith.constant 0 : i32
    %dma_start3A_424 = tpu.memref_slice %arg7[%dma_start3A_422, %dma_start3A_423] : memref<80x512xf32, #tpu.memory_space<vmem>> -> memref<80x512xf32, #tpu.memory_space<vmem>>
    tpu.enqueue_dma source(%dma_start3A_424 : memref<80x512xf32, #tpu.memory_space<vmem>>) target(%dma_start3A_421 : memref<80x512xf32, #tpu.memory_space<hbm>>) target_semaphore(%arg13 : memref<!tpu.dma_semaphore, #tpu.memory_space<semaphore_mem>>)
    %dma_wait3A_425 = arith.constant 0 : i32
    %dma_wait3A_426 = arith.constant 0 : i32
    %dma_wait3A_427 = tpu.memref_slice %arg8[%dma_wait3A_425, %dma_wait3A_426] : memref<80x512xf32, #tpu.memory_space<vmem>> -> memref<80x512xf32, #tpu.memory_space<vmem>>
    %dma_wait3A_428 = arith.constant 880 : i32
    %dma_wait3A_429 = tpu.memref_slice %arg5[%dma_wait3A_428] : memref<1024xi32, #tpu.memory_space<vmem>> -> memref<80xi32, #tpu.memory_space<vmem>>
    %dma_wait3A_430 = arith.constant 0 : i32
    %dma_wait3A_431 = arith.constant 0 : i32
    %dma_wait3A_432 = tpu.memref_slice %arg3[%dma_wait3A_430, %dma_wait3A_431] : memref<100000x512xf32, #tpu.memory_space<hbm>> -> memref<100000x512xf32, #tpu.memory_space<hbm>>
    tpu.wait_indirect_dma semaphore(%arg11 : memref<!tpu.dma_semaphore, #tpu.memory_space<semaphore_mem>>) src(%dma_wait3A_432 : memref<100000x512xf32, #tpu.memory_space<hbm>>) dst(%dma_wait3A_427 : memref<80x512xf32, #tpu.memory_space<vmem>>)
    %add3A_433 = arith.constant 880 : i32
    %add3A_434 = arith.addi %mul3A_2, %add3A_433 : i32
    %dma_start3A_435 = arith.constant 0 : i32
    %dma_start3A_436 = arith.constant 0 : i32
    %dma_start3A_437 = tpu.memref_slice %arg8[%dma_start3A_435, %dma_start3A_436] : memref<80x512xf32, #tpu.memory_space<vmem>> -> memref<80x512xf32, #tpu.memory_space<vmem>>
    %dma_start3A_438 = arith.constant 0 : i32
    %dma_start3A_439 = tpu.memref_slice %arg4[%add3A_434, %dma_start3A_438] : memref<32768x512xf32, #tpu.memory_space<hbm>> -> memref<80x512xf32, #tpu.memory_space<hbm>>
    %dma_start3A_440 = arith.constant 0 : i32
    %dma_start3A_441 = tpu.memref_slice %arg4[%add3A_434, %dma_start3A_440] : memref<32768x512xf32, #tpu.memory_space<hbm>> -> memref<80x512xf32, #tpu.memory_space<hbm>>
    %dma_start3A_442 = arith.constant 0 : i32
    %dma_start3A_443 = arith.constant 0 : i32
    %dma_start3A_444 = tpu.memref_slice %arg8[%dma_start3A_442, %dma_start3A_443] : memref<80x512xf32, #tpu.memory_space<vmem>> -> memref<80x512xf32, #tpu.memory_space<vmem>>
    tpu.enqueue_dma source(%dma_start3A_444 : memref<80x512xf32, #tpu.memory_space<vmem>>) target(%dma_start3A_441 : memref<80x512xf32, #tpu.memory_space<hbm>>) target_semaphore(%arg14 : memref<!tpu.dma_semaphore, #tpu.memory_space<semaphore_mem>>)
    %dma_wait3A_445 = arith.constant 0 : i32
    %dma_wait3A_446 = arith.constant 0 : i32
    %dma_wait3A_447 = tpu.memref_slice %arg6[%dma_wait3A_445, %dma_wait3A_446] : memref<80x512xf32, #tpu.memory_space<vmem>> -> memref<64x512xf32, #tpu.memory_space<vmem>>
    %dma_wait3A_448 = arith.constant 960 : i32
    %dma_wait3A_449 = tpu.memref_slice %arg5[%dma_wait3A_448] : memref<1024xi32, #tpu.memory_space<vmem>> -> memref<64xi32, #tpu.memory_space<vmem>>
    %dma_wait3A_450 = arith.constant 0 : i32
    %dma_wait3A_451 = arith.constant 0 : i32
    %dma_wait3A_452 = tpu.memref_slice %arg3[%dma_wait3A_450, %dma_wait3A_451] : memref<100000x512xf32, #tpu.memory_space<hbm>> -> memref<100000x512xf32, #tpu.memory_space<hbm>>
    tpu.wait_indirect_dma semaphore(%arg9 : memref<!tpu.dma_semaphore, #tpu.memory_space<semaphore_mem>>) src(%dma_wait3A_452 : memref<100000x512xf32, #tpu.memory_space<hbm>>) dst(%dma_wait3A_447 : memref<64x512xf32, #tpu.memory_space<vmem>>)
    %add3A_453 = arith.constant 960 : i32
    %add3A_454 = arith.addi %mul3A_2, %add3A_453 : i32
    %dma_start3A_455 = arith.constant 0 : i32
    %dma_start3A_456 = arith.constant 0 : i32
    %dma_start3A_457 = tpu.memref_slice %arg6[%dma_start3A_455, %dma_start3A_456] : memref<80x512xf32, #tpu.memory_space<vmem>> -> memref<64x512xf32, #tpu.memory_space<vmem>>
    %dma_start3A_458 = arith.constant 0 : i32
    %dma_start3A_459 = tpu.memref_slice %arg4[%add3A_454, %dma_start3A_458] : memref<32768x512xf32, #tpu.memory_space<hbm>> -> memref<64x512xf32, #tpu.memory_space<hbm>>
    %dma_start3A_460 = arith.constant 0 : i32
    %dma_start3A_461 = tpu.memref_slice %arg4[%add3A_454, %dma_start3A_460] : memref<32768x512xf32, #tpu.memory_space<hbm>> -> memref<64x512xf32, #tpu.memory_space<hbm>>
    %dma_start3A_462 = arith.constant 0 : i32
    %dma_start3A_463 = arith.constant 0 : i32
    %dma_start3A_464 = tpu.memref_slice %arg6[%dma_start3A_462, %dma_start3A_463] : memref<80x512xf32, #tpu.memory_space<vmem>> -> memref<64x512xf32, #tpu.memory_space<vmem>>
    tpu.enqueue_dma source(%dma_start3A_464 : memref<64x512xf32, #tpu.memory_space<vmem>>) target(%dma_start3A_461 : memref<64x512xf32, #tpu.memory_space<hbm>>) target_semaphore(%arg12 : memref<!tpu.dma_semaphore, #tpu.memory_space<semaphore_mem>>)
    %dma_wait3A_465 = arith.constant 0 : i32
    %dma_wait3A_466 = arith.constant 0 : i32
    %dma_wait3A_467 = tpu.memref_slice %arg6[%dma_wait3A_465, %dma_wait3A_466] : memref<80x512xf32, #tpu.memory_space<vmem>> -> memref<64x512xf32, #tpu.memory_space<vmem>>
    %dma_wait3A_468 = arith.constant 0 : i32
    %dma_wait3A_469 = tpu.memref_slice %arg4[%add3A_454, %dma_wait3A_468] : memref<32768x512xf32, #tpu.memory_space<hbm>> -> memref<64x512xf32, #tpu.memory_space<hbm>>
    %dma_wait3A_470 = arith.constant 0 : i32
    %dma_wait3A_471 = tpu.memref_slice %arg4[%add3A_454, %dma_wait3A_470] : memref<32768x512xf32, #tpu.memory_space<hbm>> -> memref<64x512xf32, #tpu.memory_space<hbm>>
    %dma_wait3A_472 = arith.constant 0 : i32
    %dma_wait3A_473 = arith.constant 0 : i32
    %dma_wait3A_474 = tpu.memref_slice %arg6[%dma_wait3A_472, %dma_wait3A_473] : memref<80x512xf32, #tpu.memory_space<vmem>> -> memref<64x512xf32, #tpu.memory_space<vmem>>
    tpu.wait_dma2 semaphore(%arg12 : memref<!tpu.dma_semaphore, #tpu.memory_space<semaphore_mem>>) src(%dma_wait3A_474 : memref<64x512xf32, #tpu.memory_space<vmem>>) dst(%dma_wait3A_471 : memref<64x512xf32, #tpu.memory_space<hbm>>)
    %dma_wait3A_475 = arith.constant 0 : i32
    %dma_wait3A_476 = arith.constant 0 : i32
    %dma_wait3A_477 = tpu.memref_slice %arg7[%dma_wait3A_475, %dma_wait3A_476] : memref<80x512xf32, #tpu.memory_space<vmem>> -> memref<80x512xf32, #tpu.memory_space<vmem>>
    %dma_wait3A_478 = arith.constant 0 : i32
    %dma_wait3A_479 = tpu.memref_slice %arg4[%add3A_414, %dma_wait3A_478] : memref<32768x512xf32, #tpu.memory_space<hbm>> -> memref<80x512xf32, #tpu.memory_space<hbm>>
    %dma_wait3A_480 = arith.constant 0 : i32
    %dma_wait3A_481 = tpu.memref_slice %arg4[%add3A_414, %dma_wait3A_480] : memref<32768x512xf32, #tpu.memory_space<hbm>> -> memref<80x512xf32, #tpu.memory_space<hbm>>
    %dma_wait3A_482 = arith.constant 0 : i32
    %dma_wait3A_483 = arith.constant 0 : i32
    %dma_wait3A_484 = tpu.memref_slice %arg7[%dma_wait3A_482, %dma_wait3A_483] : memref<80x512xf32, #tpu.memory_space<vmem>> -> memref<80x512xf32, #tpu.memory_space<vmem>>
    tpu.wait_dma2 semaphore(%arg13 : memref<!tpu.dma_semaphore, #tpu.memory_space<semaphore_mem>>) src(%dma_wait3A_484 : memref<80x512xf32, #tpu.memory_space<vmem>>) dst(%dma_wait3A_481 : memref<80x512xf32, #tpu.memory_space<hbm>>)
    %dma_wait3A_485 = arith.constant 0 : i32
    %dma_wait3A_486 = arith.constant 0 : i32
    %dma_wait3A_487 = tpu.memref_slice %arg8[%dma_wait3A_485, %dma_wait3A_486] : memref<80x512xf32, #tpu.memory_space<vmem>> -> memref<80x512xf32, #tpu.memory_space<vmem>>
    %dma_wait3A_488 = arith.constant 0 : i32
    %dma_wait3A_489 = tpu.memref_slice %arg4[%add3A_434, %dma_wait3A_488] : memref<32768x512xf32, #tpu.memory_space<hbm>> -> memref<80x512xf32, #tpu.memory_space<hbm>>
    %dma_wait3A_490 = arith.constant 0 : i32
    %dma_wait3A_491 = tpu.memref_slice %arg4[%add3A_434, %dma_wait3A_490] : memref<32768x512xf32, #tpu.memory_space<hbm>> -> memref<80x512xf32, #tpu.memory_space<hbm>>
    %dma_wait3A_492 = arith.constant 0 : i32
    %dma_wait3A_493 = arith.constant 0 : i32
    %dma_wait3A_494 = tpu.memref_slice %arg8[%dma_wait3A_492, %dma_wait3A_493] : memref<80x512xf32, #tpu.memory_space<vmem>> -> memref<80x512xf32, #tpu.memory_space<vmem>>
    tpu.wait_dma2 semaphore(%arg14 : memref<!tpu.dma_semaphore, #tpu.memory_space<semaphore_mem>>) src(%dma_wait3A_494 : memref<80x512xf32, #tpu.memory_space<vmem>>) dst(%dma_wait3A_491 : memref<80x512xf32, #tpu.memory_space<hbm>>)
    return
  }
}

</mosaic_0001>

<sc_bundles>
// kernel: _embed.3.cloned.1.call-start
scs
__scs_entry_jumppad:
0x0: {  	(pc) =	sbr.rel $0x88, $3  }
0x1: {  	(tag) =	ssettag $0x0;
	lr =	simm.s32 $0x1  }
0x2: {  	[smem:$0x3F9F] =	sst lr;
	_ =	strace $0xD0000000  }
0x3: {  	_ = 	snop  }
0x4: {  	_ = 	snop  }
0x5: {  	_ = 	snop  }
0x6: {  	_ = 	snop  }
0x7: {  	_ = 	snop  }
__scs_overlays_trampoline_lowered:
0x8: {  	[smem:$0x3FAE] =	sst s0  }
0x9: {  	[smem:$0x3FAF] =	sst s1  }
0xa: {  	[smem:$0x3FB0] =	sst s2  }
0xb: {  	[smem:$0x3FB1] =	sst s3  }
0xc: {  	[smem:$0x3FB2] =	sst s4  }
0xd: {  	[smem:$0x3FB3] =	sst s5  }
0xe: {  	[smem:$0x3FB4] =	sst s6  }
0xf: {  	[smem:$0x3FB5] =	sst s7  }
0x10: {  	[smem:$0x3FB6] =	sst s8  }
0x11: {  	[smem:$0x3FB7] =	sst s9;
	s0 =	simm.s32 @!p0 $0x0  }
0x12: {  	s1 =	sld [smem:$0x3F9D];
	s0 =	simm.s32 @p0 $0x1  }
0x13: {  	[smem:$0x3FB8] =	sst s0;
	s0 =	simm.s32 @!p1 $0x0  }
0x14: {  	s2 =	sld [smem:$0x3F9C];
	s0 =	simm.s32 @p1 $0x1  }
0x15: {  	[smem:$0x3FB9] =	sst s0;
	s0 =	simm.s32 @!p2 $0x0  }
0x16: {  	s3 =	sld [smem:$0x3FDB];
	s0 =	simm.s32 @p2 $0x1  }
0x17: {  	s4 =	simm.s32 $0x1BF5;
	[smem:$0x3FBB] =	sst s0  }
0x18: {  	s0 =	sld [smem:$0x3F9E];
	_ =	swait.ge [sflag:s4], $0x0  }
0x19: {  	s7 =	sld [smem:$0x3F9F]  }
0x1a: {  	s8 =	sadd.s32 $0xFFFFE003, lr  }
0x1b: {  	s9 =	sadd.s32 $0xFFFFFEF7, lr;
	s5 =	simm.s32 $0xFFFFFFFF;
	p2 =	slt.u32 s8, $0xFFFFF086  }
0x1c: {  	p1 =	slt.u32 s9, $0xF7A;
	s5 =	simm.s32 @!p2 $0x0  }
0x1d: {  	s5 =	simm.s32 @p1 $0x1;
	p0 =	seq.s32 s7, s2  }
0x1e: {  	s7 =	smul.u32 @!p0 $0xF7A, s2;
	p2 =	seq.s32 @!p0 s5, $0x0  }
0x1f: {  	s9 =	smul.u32 $0xF7A, s1;
	s8 =	simm.s32 @!p0 $0x1BF5;
	p2 =	por !p2, p0  }
0x20: {  	[sflag:s8] =	ssyncset.s32 @!p0 $0xFFFFF086;
	s6 =	sadd.s32 @!p0 s3, s7;
	s7 =	simm.s32 @!p0 $0x108  }
0x21: {  	s3 =	sadd.s32 s3, s9;
	s6 =	sadd.s32 @!p0 $0x88, s6;
	s7 =	simm.s32 @p2 $0x1082  }
0x22: {  	[simem:s7], [sflag:s8] =	dma.local @!p0 [hbm:s6], $0xF7A  }
0x23: {  	s9 =	sor.u32 $0xD0000000, s2;
	s6 =	simm.s32 $0x108;
	_ =	swait.ge @!p0 [sflag:s8], $0x0  }
0x24: {  	s3 =	sadd.s32 $0x88, s3;
	s6 =	simm.s32 @!p1 $0x1082;
	[sflag:s4] =	ssyncset.s32 $0xFFFFF086  }
0x25: {  	[simem:s6], [sflag:s4] =	dma.local [hbm:s3], $0xF7A  }
0x26: {  	[smem:$0x3F9F] =	sst s1;
	(tag) =	ssettag s2;
	_ =	strace s9  }
0x27: {  	s1 =	sld [smem:$0x3FAF]  }
0x28: {  	s2 =	sld [smem:$0x3FB0]  }
0x29: {  	s4 =	sld [smem:$0x3FB2]  }
0x2a: {  	p0 =	seq.s32 s5, $0x0;
	s5 =	sld [smem:$0x3FB3]  }
0x2b: {  	s6 =	sld [smem:$0x3FB4]  }
0x2c: {  	s7 =	sld [smem:$0x3FB5]  }
0x2d: {  	s3 =	simm.s32 $0x108;
	s8 =	sld [smem:$0x3FB6]  }
0x2e: {  	s3 =	simm.s32 @!p0 $0x1082;
	s9 =	sld [smem:$0x3FB7]  }
0x2f: {  	lr =	sadd.s32 s0, s3;
	s0 =	sld [smem:$0x3FAE]  }
0x30: {  	s3 =	sld [smem:$0x3FB1]  }
0x31: {  	[smem:$0x3FBA] =	sst s10  }
0x32: {  	s10 =	sld [smem:$0x3FB8];
	_ =	sdelay $0x3  }
0x33: {  	p0 =	seq.s32 s10, $0x1;
	s10 =	sld [smem:$0x3FBA];
	_ =	sdelay $0x3  }
0x34: {  	[smem:$0x3FBA] =	sst s10  }
0x35: {  	s10 =	sld [smem:$0x3FB9];
	_ =	sdelay $0x3  }
0x36: {  	p1 =	seq.s32 s10, $0x1;
	s10 =	sld [smem:$0x3FBA];
	_ =	sdelay $0x3  }
0x37: {  	[smem:$0x3FBA] =	sst s10  }
0x38: {  	s10 =	sld [smem:$0x3FBB]  }
0x39: {  	_ = 	snop;
	(pc) =	sbr.ind lr, $3  }
0x3a: {  	_ = 	snop  }
0x3b: {  	_ = 	snop  }
0x3c: {  	p2 =	seq.s32 s10, $0x1;
	s10 =	sld [smem:$0x3FBA]  }
0x3d: {  	_ =	shalt  }
0x3e: {  	_ =	shalt  }
0x3f: {  	_ =	shalt  }
0x40: {  	_ =	shalt  }
0x41: {  	_ =	shalt  }
0x42: {  	_ =	shalt  }
0x43: {  	_ =	shalt  }
0x44: {  	_ =	shalt  }
0x45: {  	_ =	shalt  }
0x46: {  	_ =	shalt  }
0x47: {  	_ =	shalt  }
0x48: {  	_ =	shalt  }
0x49: {  	_ =	shalt  }
0x4a: {  	_ =	shalt  }
0x4b: {  	_ =	shalt  }
0x4c: {  	_ =	shalt  }
0x4d: {  	_ =	shalt  }
0x4e: {  	_ =	shalt  }
0x4f: {  	_ =	shalt  }
0x50: {  	_ =	shalt  }
0x51: {  	_ =	shalt  }
0x52: {  	_ =	shalt  }
0x53: {  	_ =	shalt  }
0x54: {  	_ =	shalt  }
0x55: {  	_ =	shalt  }
0x56: {  	_ =	shalt  }
0x57: {  	_ =	shalt  }
0x58: {  	_ =	shalt  }
0x59: {  	_ =	shalt  }
0x5a: {  	_ =	shalt  }
0x5b: {  	_ =	shalt  }
0x5c: {  	_ =	shalt  }
0x5d: {  	_ =	shalt  }
0x5e: {  	_ =	shalt  }
0x5f: {  	_ =	shalt  }
0x60: {  	_ =	shalt  }
0x61: {  	_ =	shalt  }
0x62: {  	_ =	shalt  }
0x63: {  	_ =	shalt  }
0x64: {  	_ =	shalt  }
0x65: {  	_ =	shalt  }
0x66: {  	_ =	shalt  }
0x67: {  	_ =	shalt  }
0x68: {  	_ =	shalt  }
0x69: {  	_ =	shalt  }
0x6a: {  	_ =	shalt  }
0x6b: {  	_ =	shalt  }
0x6c: {  	_ =	shalt  }
0x6d: {  	_ =	shalt  }
0x6e: {  	_ =	shalt  }
0x6f: {  	_ =	shalt  }
0x70: {  	_ =	shalt  }
0x71: {  	_ =	shalt  }
0x72: {  	_ =	shalt  }
0x73: {  	_ =	shalt  }
0x74: {  	_ =	shalt  }
0x75: {  	_ =	shalt  }
0x76: {  	_ =	shalt  }
0x77: {  	_ =	shalt  }
0x78: {  	_ =	shalt  }
0x79: {  	_ =	shalt  }
0x7a: {  	_ =	shalt  }
0x7b: {  	_ =	shalt  }
0x7c: {  	_ =	shalt  }
0x7d: {  	_ =	shalt  }
0x7e: {  	_ =	shalt  }
0x7f: {  	_ =	shalt  }
0x80: {  	_ =	shalt  }
0x81: {  	_ =	shalt  }
0x82: {  	_ =	shalt  }
0x83: {  	_ =	shalt  }
0x84: {  	_ =	shalt  }
0x85: {  	_ =	shalt  }
0x86: {  	_ =	shalt  }
0x87: {  	_ =	shalt  }
.Lfunc_end0:
.L_simem_size_0:
called_computation_lowered:
.L_overlay_start_0:
0x88: {  	s2 =	sld [smem:$0x3FD9]  }
0x89: {  	s3 =	sld [smem:$0x3FFE];
	_ =	sdelay $0x1  }
0x8a: {  	s1 =	srdreg.scid  }
0x8b: {  	s0 =	sand.u32 $0x1, s1  }
0x8c: {  	s18 =	sshll.u32 s0, $0xA;
	s2 =	sadd.s32 s3, s2  }
0x8d: {  	s2 =	sadd.s32 s2, s18  }
0x8e: {  	[smem:$0x3FC6] =	sst s2  }
0x8f: {  	_ = 	snop  }
0x90: {  	s2 =	sld [smem:$0x3FC9]  }
0x91: {  	s19 =	sld [smem:$0x3FC8]  }
0x92: {  	s4 =	sld [smem:$0x3FD0];
	(tm) =	ssettm $0x1  }
0x93: {  	s5 =	sld [smem:$0x3FFB];
	_ =	sdelay $0x3  }
0x94: {  	_ =	strace s5  }
0x95: {  	s5 =	sld [smem:$0x3FFC];
	_ =	sdelay $0x3  }
0x96: {  	_ =	strace s5  }
0x97: {  	s5 =	sld [smem:$0x3FFD];
	_ =	sdelay $0x3  }
0x98: {  	_ =	strace s5  }
0x99: {  	_ =	strace $0x8FFFFFFF  }
0x9a: {  	s20 =	sld [smem:$0x3FDB];
	_ =	sdelay $0x1  }
0x9b: {  	s6 =	simm.s32 $_scs_section_size  }
0x9c: {  	s7 =	simm.s32 $_size__tile_overlayer_lowered;
	s8 =	simm.s32 $_tile_overlayer_lowered  }
0x9d: {  	s23 =	simm.s32 $0x1BFF;
	s22 =	sshll.u32 s8, $0x1;
	s5 =	sadd.s32 s6, s20  }
0x9e: {  	s9 =	simm.s32 $0x0;
	s21 =	sshll.u32 s7, $0x1;
	s7 =	sadd.s32 s22, s5  }
0x9f: {  	[timem:s9], [sflag:s23] =	dma.local [hbm:s7], s21  }
0xa0: {  	_ =	swait.ge [sflag:s23], s21  }
0xa1: {  	s6 =	ssub.s32 $0x0, s21;
	[sflag:s23] =	ssyncset.done $0x0  }
0xa2: {  	[sflag:s23] =	ssyncadd.s32 s6;
	_ =	sdelay $0x1  }
0xa3: {  	s24 =	simm.s32 $0x1B8B  }
0xa4: {  	_ =	swait.ge [sflag:s24], $0x1  }
0xa5: {  	[sflag:s24] =	ssyncset.done $0x0  }
0xa6: {  	s25 =	simm.s32 $0x1B8E;
	[sflag:s24] =	ssyncadd.s32 $0xFFFFFFFF  }
0xa7: {  	s26 =	simm.s32 $execute0_lowered;
	[smem:$0x3FD2] =	sst s25  }
0xa8: {  	s6 =	sshll.u32 s26, $0x1;
	_ =	strace $0x80000046;
	[dreg:$0x1] =	wrdreg $0xFFFFFFFF  }
0xa9: {  	s28 =	simm.s32 $_size_execute0_lowered;
	s5 =	sadd.s32 s5, s6;
	[dreg:$0x0] =	wrdreg $0x0  }
0xaa: {  	s6 =	sshll.u32 s28, $0x1;
	[dreg:$0x2] =	wrdreg s5  }
0xab: {  	[dreg:$0x3] =	wrdreg s6  }
0xac: {  	[dreg:$0x4] =	wrdreg $0xC0  }
0xad: {  	_ =	task [dreg:s9], $0x5FFFF  }
0xae: {  	[dreg:$0x1] =	wrdreg $0xFFFFFFFF  }
0xaf: {  	[dreg:$0x0] =	wrdreg $0x60  }
0xb0: {  	[dreg:$0x2] =	wrdreg s2  }
0xb1: {  	[dreg:$0x3] =	wrdreg s19  }
0xb2: {  	[dreg:$0x4] =	wrdreg s4  }
0xb3: {  	[dreg:$0x5] =	wrdreg $0x9  }
0xb4: {  	_ =	task.clear_ibuf [dreg:s9], $0x6FFFF;
	_ =	strace $0x90000046  }
0xb5: {  	s29 =	simm.s32 $0x9;
	_ =	strace $0x80000048  }
0xb6: {  	_ =	swait.ge [sflag:s29], $0x1  }
0xb7: {  	[sflag:s29] =	ssyncadd.s32 $0xFFFFFFFF  }
0xb8: {  	_ =	strace $0x90000048  }
0xb9: {  	_ =	sfence  }
0xba: {  	s30 =	sld [smem:$0x0];
	_ =	sdelay $0x2  }
0xbb: {  	s31 =	sshll.u32 s1, $0xD;
	s1 =	sshrl.u32 s1, $0x2  }
0xbc: {  	s3 =	sand.u32 $0x4000, s31;
	s1 =	sadd.s32 s1, s30  }
0xbd: {  	s0 =	sor.u32 s3, s0;
	s1 =	sshll.u32 s1, $0x11  }
0xbe: {  	s0 =	sor.u32 s1, s0  }
0xbf: {  	s0 =	sadd.s32 $0x8F2B, s0  }
0xc0: {  	[sflag:s0] =	ssyncadd.remote.s32 $0x1  }
0xc1: {  	_ =	sfence.sel $0xFFFF  }
0xc2: {  	[dreg:$0x0] =	wrdreg $0xFFFFFFFF;
	(pc) =	sbr.abs _section_cstart, $3  }
0xc3: {  	[dreg:$0x1] =	wrdreg $0xFFFFFFFF  }
0xc4: {  	_ =	task.clear_ibuf [dreg:s9], $0x2FFFF;
	_ =	strace $0x9FFFFFFF  }
0xc5: {  	(tm) =	ssettm $0x7FFFFFFF  }
tec
execute0_lowered:
.L_overlay_start_1:
0x0: {  	(tag) =	ssettag $0x1  }
0x1: {  	s1 =	srdreg.scid  }
0x2: {  	s3 =	stileid.u32;
	s1 =	sand.u32 $0x1, s1  }
0x3: {  	s0 =	rddreg [dreg:$0x0];
	s5 =	sshll.u32 s3, $0xB;
	s6 =	sshll.u32 s1, $0xA  }
0x4: {  	s2 =	rddreg [dreg:$0x1];
	s5 =	sor.u32 s6, s5  }
0x5: {  	s4 =	rddreg [dreg:$0x2];
	s3 =	simm.s32 $0x0;
	s6 =	sshrl.u32 s5, $0x3  }
0x6: {  	[smem:$0x7FF] =	sst s3;
	s5 =	sshll.u32 s5, $0x6;
	s0 =	sadd.s32 s0, s6  }
0x7: {  	_ =	strace $0x80000047;
	s16 =	sadd.s32 s4, s5;
	[dreg:$0x4] =	wrdreg s0  }
0x8: {  	s17 =	sadd.s32 $0x1400, s16;
	[dreg:$0x11] =	wrdreg s16  }
0x9: {  	s18 =	sadd.s32 $0x2800, s16;
	[dreg:$0x5] =	wrdreg s17  }
0xa: {  	s19 =	sadd.s32 $0x3C00, s16;
	[dreg:$0x6] =	wrdreg s18  }
0xb: {  	s31 =	simm.s32 $0x1;
	s20 =	sadd.s32 $0x5000, s16;
	[dreg:$0x7] =	wrdreg s19  }
0xc: {  	s10 =	simm.s32 $0x2;
	s21 =	sadd.s32 $0x6400, s16;
	[dreg:$0x8] =	wrdreg s20  }
0xd: {  	s7 =	simm.s32 $0x3;
	s22 =	sadd.s32 $0x7800, s16;
	[dreg:$0x9] =	wrdreg s21  }
0xe: {  	s1 =	ssub.s32 $0x2, s1;
	s23 =	sadd.s32 $0x8C00, s16;
	[dreg:$0xa] =	wrdreg s22  }
0xf: {  	s26 =	sshrl.u32 s1, $0x1;
	s24 =	sadd.s32 $0xA000, s16;
	[dreg:$0xb] =	wrdreg s23  }
0x10: {  	s1 =	ssub.s32 s1, s26;
	s25 =	sadd.s32 $0xB400, s16;
	[dreg:$0xc] =	wrdreg s24  }
0x11: {  	s5 =	sadd.s32 $0x100, s2;
	s28 =	sadd.s32 $0xC800, s16;
	[dreg:$0xd] =	wrdreg s25  }
0x12: {  	v2 =	vlaneseq.u32;
	s6 =	smax.u32 s1, $0x1;
	s29 =	sadd.s32 $0xDC00, s16;
	[dreg:$0xe] =	wrdreg s28  }
0x13: {  	vm0 =	vmmov $0xffff;
	v1 =	vshrl.u32 v2, $0x3;
	s1 =	simm.s32 $0x4;
	s30 =	sadd.s32 $0xF000, s16;
	[dreg:$0xf] =	wrdreg s29  }
0x14: {  	v0 =	vand.u32 $0x7, v2;
	v2 =	vor.u32 $0x8, v2;
	v1 =	vmul.u32 $0x8, v1;
	s4 =	simm.s32 $0x5;
	[dreg:$0x10] =	wrdreg s30;
	s24 =	simm.s32 $0x6  }
.LBB2_1:
0x15: {  	s25 =	rddreg [dreg:$0x4];
	s30 =	simm.s32 $0x7  }
0x16: {  	[tilespmem:s3], [sflag:$0x7] =	stream.linear.gather [hbm4b:s25+s3], $0x400, $0x38;
	[tilespmem:$0x1E400] =	vst v63  }
0x17: {  	_ =	swait.ge [sflag:s30], $0x400  }
0x18: {  	[sflag:s30] =	ssyncset.done $0x0  }
0x19: {  	[sflag:s30] =	ssyncadd.s32 $0xFFFFFC00  }
0x1a: {  	v3 =	vld [tilespmem:$0x0];
	_ =	sdelay $0x4  }
0x1b: {  	v4 =	vshll.u32 v3, $0x2  }
0x1c: {  	v3 =	vand.u32 $0x7, v3;
	v4 =	vand.u32 $0xFFFFFFE0, v4  }
0x1d: {  	v3 =	vor.u32 v3, v4  }
0x1e: {  	v4 =	vperm.xlane v3, v0;
	_ =	sdelay $0x1  }
0x1f: {  	v4 =	vadd.s32 v1, v4;
	_ =	sdelay $0x1  }
0x20: {  	v3 =	vperm.xlane v3, v2;
	_ =	sdelay $0x1  }
0x21: {  	s8 =	simm.s32 $0x400;
	v3 =	vadd.s32 v1, v3  }
0x22: {  	[tilespmem:s8], [sflag:$0x1] =	stream.indirect_vreg.gather [hbm4b:s2+s3], $0x80, v4, vm0, $0xb8;
	[tilespmem:$0x1E400] =	vst v63  }
0x23: {  	s9 =	simm.s32 $0xC00  }
0x24: {  	[tilespmem:s9], [sflag:$0x1] =	stream.indirect_vreg.gather [hbm4b:s5+s3], $0x80, v4, vm0, $0xb8;
	[tilespmem:$0x1E400] =	vst v63  }
0x25: {  	s0 =	simm.s32 $0x1400  }
0x26: {  	[tilespmem:s0], [sflag:$0x1] =	stream.indirect_vreg.gather [hbm4b:s2+s3], $0x80, v3, vm0, $0xb8;
	[tilespmem:$0x1E400] =	vst v63  }
0x27: {  	s8 =	simm.s32 $0x1C00  }
0x28: {  	[tilespmem:s8], [sflag:$0x1] =	stream.indirect_vreg.gather [hbm4b:s5+s3], $0x80, v3, vm0, $0xb8;
	[tilespmem:$0x1E400] =	vst v63  }
0x29: {  	v3 =	vld [tilespmem:$0x10];
	_ =	sdelay $0x4  }
0x2a: {  	v57 =	vshll.u32 v3, $0x2  }
0x2b: {  	v3 =	vand.u32 $0x7, v3;
	v4 =	vand.u32 $0xFFFFFFE0, v57  }
0x2c: {  	v3 =	vor.u32 v3, v4  }
0x2d: {  	v4 =	vperm.xlane v3, v0;
	_ =	sdelay $0x1  }
0x2e: {  	v4 =	vadd.s32 v1, v4;
	_ =	sdelay $0x1  }
0x2f: {  	v3 =	vperm.xlane v3, v2;
	_ =	sdelay $0x1  }
0x30: {  	s11 =	simm.s32 $0x2400;
	v3 =	vadd.s32 v1, v3  }
0x31: {  	[tilespmem:s11], [sflag:$0x1] =	stream.indirect_vreg.gather [hbm4b:s2+s3], $0x80, v4, vm0, $0xb8;
	[tilespmem:$0x1E400] =	vst v63  }
0x32: {  	s13 =	simm.s32 $0x2C00  }
0x33: {  	[tilespmem:s13], [sflag:$0x1] =	stream.indirect_vreg.gather [hbm4b:s5+s3], $0x80, v4, vm0, $0xb8;
	[tilespmem:$0x1E400] =	vst v63  }
0x34: {  	s14 =	simm.s32 $0x3400  }
0x35: {  	[tilespmem:s14], [sflag:$0x1] =	stream.indirect_vreg.gather [hbm4b:s2+s3], $0x80, v3, vm0, $0xb8;
	[tilespmem:$0x1E400] =	vst v63  }
0x36: {  	s15 =	simm.s32 $0x3C00  }
0x37: {  	[tilespmem:s15], [sflag:$0x1] =	stream.indirect_vreg.gather [hbm4b:s5+s3], $0x80, v3, vm0, $0xb8;
	[tilespmem:$0x1E400] =	vst v63  }
0x38: {  	v3 =	vld [tilespmem:$0x20];
	_ =	sdelay $0x4  }
0x39: {  	v58 =	vshll.u32 v3, $0x2  }
0x3a: {  	v3 =	vand.u32 $0x7, v3;
	v4 =	vand.u32 $0xFFFFFFE0, v58  }
0x3b: {  	v3 =	vor.u32 v3, v4  }
0x3c: {  	v4 =	vperm.xlane v3, v0;
	_ =	sdelay $0x1  }
0x3d: {  	v4 =	vadd.s32 v1, v4;
	_ =	sdelay $0x1  }
0x3e: {  	v3 =	vperm.xlane v3, v2;
	_ =	sdelay $0x1  }
0x3f: {  	s16 =	simm.s32 $0x4400;
	v3 =	vadd.s32 v1, v3  }
0x40: {  	[tilespmem:s16], [sflag:$0x1] =	stream.indirect_vreg.gather [hbm4b:s2+s3], $0x80, v4, vm0, $0xb8;
	[tilespmem:$0x1E400] =	vst v63  }
0x41: {  	s17 =	simm.s32 $0x4C00  }
0x42: {  	[tilespmem:s17], [sflag:$0x1] =	stream.indirect_vreg.gather [hbm4b:s5+s3], $0x80, v4, vm0, $0xb8;
	[tilespmem:$0x1E400] =	vst v63  }
0x43: {  	s18 =	simm.s32 $0x5400  }
0x44: {  	[tilespmem:s18], [sflag:$0x1] =	stream.indirect_vreg.gather [hbm4b:s2+s3], $0x80, v3, vm0, $0xb8;
	[tilespmem:$0x1E400] =	vst v63  }
0x45: {  	s19 =	simm.s32 $0x5C00  }
0x46: {  	[tilespmem:s19], [sflag:$0x1] =	stream.indirect_vreg.gather [hbm4b:s5+s3], $0x80, v3, vm0, $0xb8;
	[tilespmem:$0x1E400] =	vst v63  }
0x47: {  	v3 =	vld [tilespmem:$0x30];
	_ =	sdelay $0x4  }
0x48: {  	v59 =	vshll.u32 v3, $0x2  }
0x49: {  	v3 =	vand.u32 $0x7, v3;
	v4 =	vand.u32 $0xFFFFFFE0, v59  }
0x4a: {  	v3 =	vor.u32 v3, v4  }
0x4b: {  	v4 =	vperm.xlane v3, v0;
	_ =	sdelay $0x1  }
0x4c: {  	v4 =	vadd.s32 v1, v4;
	_ =	sdelay $0x1  }
0x4d: {  	v3 =	vperm.xlane v3, v2;
	_ =	sdelay $0x1  }
0x4e: {  	s20 =	simm.s32 $0x6400;
	v3 =	vadd.s32 v1, v3  }
0x4f: {  	[tilespmem:s20], [sflag:$0x1] =	stream.indirect_vreg.gather [hbm4b:s2+s3], $0x80, v4, vm0, $0xb8;
	[tilespmem:$0x1E400] =	vst v63  }
0x50: {  	s21 =	simm.s32 $0x6C00  }
0x51: {  	[tilespmem:s21], [sflag:$0x1] =	stream.indirect_vreg.gather [hbm4b:s5+s3], $0x80, v4, vm0, $0xb8;
	[tilespmem:$0x1E400] =	vst v63  }
0x52: {  	s22 =	simm.s32 $0x7400  }
0x53: {  	[tilespmem:s22], [sflag:$0x1] =	stream.indirect_vreg.gather [hbm4b:s2+s3], $0x80, v3, vm0, $0xb8;
	[tilespmem:$0x1E400] =	vst v63  }
0x54: {  	s23 =	simm.s32 $0x7C00  }
0x55: {  	[tilespmem:s23], [sflag:$0x1] =	stream.indirect_vreg.gather [hbm4b:s5+s3], $0x80, v3, vm0, $0xb8;
	[tilespmem:$0x1E400] =	vst v63  }
0x56: {  	v3 =	vld [tilespmem:$0x40];
	_ =	sdelay $0x4  }
0x57: {  	v60 =	vshll.u32 v3, $0x2  }
0x58: {  	v3 =	vand.u32 $0x7, v3;
	v4 =	vand.u32 $0xFFFFFFE0, v60  }
0x59: {  	v3 =	vor.u32 v3, v4  }
0x5a: {  	v4 =	vperm.xlane v3, v0;
	_ =	sdelay $0x1  }
0x5b: {  	v4 =	vadd.s32 v1, v4;
	_ =	sdelay $0x1  }
0x5c: {  	v3 =	vperm.xlane v3, v2;
	_ =	sdelay $0x1  }
0x5d: {  	s25 =	simm.s32 $0x8400;
	v3 =	vadd.s32 v1, v3  }
0x5e: {  	[tilespmem:s25], [sflag:$0x1] =	stream.indirect_vreg.gather [hbm4b:s2+s3], $0x80, v4, vm0, $0xb8;
	[tilespmem:$0x1E400] =	vst v63  }
0x5f: {  	s26 =	simm.s32 $0x8C00  }
0x60: {  	[tilespmem:s26], [sflag:$0x1] =	stream.indirect_vreg.gather [hbm4b:s5+s3], $0x80, v4, vm0, $0xb8;
	[tilespmem:$0x1E400] =	vst v63  }
0x61: {  	s28 =	simm.s32 $0x9400  }
0x62: {  	[tilespmem:s28], [sflag:$0x1] =	stream.indirect_vreg.gather [hbm4b:s2+s3], $0x80, v3, vm0, $0xb8;
	[tilespmem:$0x1E400] =	vst v63  }
0x63: {  	s29 =	simm.s32 $0x9C00  }
0x64: {  	[tilespmem:s29], [sflag:$0x1] =	stream.indirect_vreg.gather [hbm4b:s5+s3], $0x80, v3, vm0, $0xb8;
	[tilespmem:$0x1E400] =	vst v63  }
0x65: {  	v3 =	vld [tilespmem:$0x50];
	_ =	sdelay $0x4  }
0x66: {  	v61 =	vshll.u32 v3, $0x2  }
0x67: {  	v3 =	vand.u32 $0x7, v3;
	v4 =	vand.u32 $0xFFFFFFE0, v61  }
0x68: {  	v3 =	vor.u32 v3, v4  }
0x69: {  	v4 =	vperm.xlane v3, v0;
	_ =	sdelay $0x1  }
0x6a: {  	v4 =	vadd.s32 v1, v4;
	_ =	sdelay $0x1  }
0x6b: {  	v3 =	vperm.xlane v3, v2;
	_ =	sdelay $0x1  }
0x6c: {  	s30 =	simm.s32 $0xA400;
	v3 =	vadd.s32 v1, v3  }
0x6d: {  	[tilespmem:s30], [sflag:$0x2] =	stream.indirect_vreg.gather [hbm4b:s2+s3], $0x80, v4, vm0, $0xb8;
	[tilespmem:$0x1E400] =	vst v63  }
0x6e: {  	s9 =	simm.s32 $0xAC00  }
0x6f: {  	[tilespmem:s9], [sflag:$0x2] =	stream.indirect_vreg.gather [hbm4b:s5+s3], $0x80, v4, vm0, $0xb8;
	[tilespmem:$0x1E400] =	vst v63  }
0x70: {  	s11 =	simm.s32 $0xB400  }
0x71: {  	[tilespmem:s11], [sflag:$0x2] =	stream.indirect_vreg.gather [hbm4b:s2+s3], $0x80, v3, vm0, $0xb8;
	[tilespmem:$0x1E400] =	vst v63  }
0x72: {  	s13 =	simm.s32 $0xBC00  }
0x73: {  	[tilespmem:s13], [sflag:$0x2] =	stream.indirect_vreg.gather [hbm4b:s5+s3], $0x80, v3, vm0, $0xb8;
	[tilespmem:$0x1E400] =	vst v63  }
0x74: {  	v3 =	vld [tilespmem:$0x60];
	_ =	sdelay $0x4  }
0x75: {  	v62 =	vshll.u32 v3, $0x2  }
0x76: {  	v3 =	vand.u32 $0x7, v3;
	v4 =	vand.u32 $0xFFFFFFE0, v62  }
0x77: {  	v3 =	vor.u32 v3, v4  }
0x78: {  	v4 =	vperm.xlane v3, v0;
	_ =	sdelay $0x1  }
0x79: {  	v4 =	vadd.s32 v1, v4;
	_ =	sdelay $0x1  }
0x7a: {  	v3 =	vperm.xlane v3, v2;
	_ =	sdelay $0x1  }
0x7b: {  	s14 =	simm.s32 $0xC400;
	v3 =	vadd.s32 v1, v3  }
0x7c: {  	[tilespmem:s14], [sflag:$0x2] =	stream.indirect_vreg.gather [hbm4b:s2+s3], $0x80, v4, vm0, $0xb8;
	[tilespmem:$0x1E400] =	vst v63  }
0x7d: {  	s16 =	simm.s32 $0xCC00  }
0x7e: {  	[tilespmem:s16], [sflag:$0x2] =	stream.indirect_vreg.gather [hbm4b:s5+s3], $0x80, v4, vm0, $0xb8;
	[tilespmem:$0x1E400] =	vst v63  }
0x7f: {  	s17 =	simm.s32 $0xD400  }
0x80: {  	[tilespmem:s17], [sflag:$0x2] =	stream.indirect_vreg.gather [hbm4b:s2+s3], $0x80, v3, vm0, $0xb8;
	[tilespmem:$0x1E400] =	vst v63  }
0x81: {  	s19 =	simm.s32 $0xDC00  }
0x82: {  	[tilespmem:s19], [sflag:$0x2] =	stream.indirect_vreg.gather [hbm4b:s5+s3], $0x80, v3, vm0, $0xb8;
	[tilespmem:$0x1E400] =	vst v63  }
0x83: {  	v3 =	vld [tilespmem:$0x70];
	_ =	sdelay $0x4  }
0x84: {  	v63 =	vshll.u32 v3, $0x2  }
0x85: {  	v3 =	vand.u32 $0x7, v3;
	v4 =	vand.u32 $0xFFFFFFE0, v63  }
0x86: {  	v3 =	vor.u32 v3, v4  }
0x87: {  	v4 =	vperm.xlane v3, v0;
	_ =	sdelay $0x1  }
0x88: {  	v4 =	vadd.s32 v1, v4;
	_ =	sdelay $0x1  }
0x89: {  	v3 =	vperm.xlane v3, v2;
	_ =	sdelay $0x1  }
0x8a: {  	s20 =	simm.s32 $0xE400;
	v3 =	vadd.s32 v1, v3  }
0x8b: {  	[tilespmem:s20], [sflag:$0x2] =	stream.indirect_vreg.gather [hbm4b:s2+s3], $0x80, v4, vm0, $0xb8;
	[tilespmem:$0x1E400] =	vst v63  }
0x8c: {  	s22 =	simm.s32 $0xEC00  }
0x8d: {  	[tilespmem:s22], [sflag:$0x2] =	stream.indirect_vreg.gather [hbm4b:s5+s3], $0x80, v4, vm0, $0xb8;
	[tilespmem:$0x1E400] =	vst v63  }
0x8e: {  	s25 =	simm.s32 $0xF400  }
0x8f: {  	[tilespmem:s25], [sflag:$0x2] =	stream.indirect_vreg.gather [hbm4b:s2+s3], $0x80, v3, vm0, $0xb8;
	[tilespmem:$0x1E400] =	vst v63  }
0x90: {  	s28 =	simm.s32 $0xFC00  }
0x91: {  	[tilespmem:s28], [sflag:$0x2] =	stream.indirect_vreg.gather [hbm4b:s5+s3], $0x80, v3, vm0, $0xb8;
	[tilespmem:$0x1E400] =	vst v63  }
0x92: {  	v3 =	vld [tilespmem:$0x80];
	_ =	sdelay $0x4  }
0x93: {  	v8 =	vshll.u32 v3, $0x2  }
0x94: {  	v3 =	vand.u32 $0x7, v3;
	v4 =	vand.u32 $0xFFFFFFE0, v8  }
0x95: {  	v3 =	vor.u32 v3, v4  }
0x96: {  	v4 =	vperm.xlane v3, v0;
	_ =	sdelay $0x1  }
0x97: {  	v4 =	vadd.s32 v1, v4;
	_ =	sdelay $0x1  }
0x98: {  	v3 =	vperm.xlane v3, v2;
	_ =	sdelay $0x1  }
0x99: {  	s29 =	simm.s32 $0x10400;
	v3 =	vadd.s32 v1, v3  }
0x9a: {  	[tilespmem:s29], [sflag:$0x2] =	stream.indirect_vreg.gather [hbm4b:s2+s3], $0x80, v4, vm0, $0xb8;
	[tilespmem:$0x1E400] =	vst v63  }
0x9b: {  	s11 =	simm.s32 $0x10C00  }
0x9c: {  	[tilespmem:s11], [sflag:$0x2] =	stream.indirect_vreg.gather [hbm4b:s5+s3], $0x80, v4, vm0, $0xb8;
	[tilespmem:$0x1E400] =	vst v63  }
0x9d: {  	s13 =	simm.s32 $0x11400  }
0x9e: {  	[tilespmem:s13], [sflag:$0x2] =	stream.indirect_vreg.gather [hbm4b:s2+s3], $0x80, v3, vm0, $0xb8;
	[tilespmem:$0x1E400] =	vst v63  }
0x9f: {  	s14 =	simm.s32 $0x11C00  }
0xa0: {  	[tilespmem:s14], [sflag:$0x2] =	stream.indirect_vreg.gather [hbm4b:s5+s3], $0x80, v3, vm0, $0xb8;
	[tilespmem:$0x1E400] =	vst v63  }
0xa1: {  	v3 =	vld [tilespmem:$0x90];
	_ =	sdelay $0x4  }
0xa2: {  	v9 =	vshll.u32 v3, $0x2  }
0xa3: {  	v3 =	vand.u32 $0x7, v3;
	v4 =	vand.u32 $0xFFFFFFE0, v9  }
0xa4: {  	v3 =	vor.u32 v3, v4  }
0xa5: {  	v4 =	vperm.xlane v3, v0;
	_ =	sdelay $0x1  }
0xa6: {  	v4 =	vadd.s32 v1, v4;
	_ =	sdelay $0x1  }
0xa7: {  	v3 =	vperm.xlane v3, v2;
	_ =	sdelay $0x1  }
0xa8: {  	s16 =	simm.s32 $0x12400;
	v3 =	vadd.s32 v1, v3  }
0xa9: {  	[tilespmem:s16], [sflag:$0x2] =	stream.indirect_vreg.gather [hbm4b:s2+s3], $0x80, v4, vm0, $0xb8;
	[tilespmem:$0x1E400] =	vst v63  }
0xaa: {  	s17 =	simm.s32 $0x12C00  }
0xab: {  	[tilespmem:s17], [sflag:$0x2] =	stream.indirect_vreg.gather [hbm4b:s5+s3], $0x80, v4, vm0, $0xb8;
	[tilespmem:$0x1E400] =	vst v63  }
0xac: {  	s19 =	simm.s32 $0x13400  }
0xad: {  	[tilespmem:s19], [sflag:$0x2] =	stream.indirect_vreg.gather [hbm4b:s2+s3], $0x80, v3, vm0, $0xb8;
	[tilespmem:$0x1E400] =	vst v63  }
0xae: {  	s20 =	simm.s32 $0x13C00  }
0xaf: {  	[tilespmem:s20], [sflag:$0x2] =	stream.indirect_vreg.gather [hbm4b:s5+s3], $0x80, v3, vm0, $0xb8;
	[tilespmem:$0x1E400] =	vst v63  }
0xb0: {  	v3 =	vld [tilespmem:$0xA0];
	_ =	sdelay $0x4  }
0xb1: {  	v10 =	vshll.u32 v3, $0x2  }
0xb2: {  	v3 =	vand.u32 $0x7, v3;
	v4 =	vand.u32 $0xFFFFFFE0, v10  }
0xb3: {  	v3 =	vor.u32 v3, v4  }
0xb4: {  	v4 =	vperm.xlane v3, v0;
	_ =	sdelay $0x1  }
0xb5: {  	v4 =	vadd.s32 v1, v4;
	_ =	sdelay $0x1  }
0xb6: {  	v3 =	vperm.xlane v3, v2;
	_ =	sdelay $0x1  }
0xb7: {  	s22 =	simm.s32 $0x14400;
	v3 =	vadd.s32 v1, v3  }
0xb8: {  	[tilespmem:s22], [sflag:$0x3] =	stream.indirect_vreg.gather [hbm4b:s2+s3], $0x80, v4, vm0, $0xb8;
	[tilespmem:$0x1E400] =	vst v63  }
0xb9: {  	s11 =	simm.s32 $0x14C00  }
0xba: {  	[tilespmem:s11], [sflag:$0x3] =	stream.indirect_vreg.gather [hbm4b:s5+s3], $0x80, v4, vm0, $0xb8;
	[tilespmem:$0x1E400] =	vst v63  }
0xbb: {  	s25 =	simm.s32 $0x15400  }
0xbc: {  	[tilespmem:s25], [sflag:$0x3] =	stream.indirect_vreg.gather [hbm4b:s2+s3], $0x80, v3, vm0, $0xb8;
	[tilespmem:$0x1E400] =	vst v63  }
0xbd: {  	s28 =	simm.s32 $0x15C00  }
0xbe: {  	[tilespmem:s28], [sflag:$0x3] =	stream.indirect_vreg.gather [hbm4b:s5+s3], $0x80, v3, vm0, $0xb8;
	[tilespmem:$0x1E400] =	vst v63  }
0xbf: {  	v3 =	vld [tilespmem:$0xB0];
	_ =	sdelay $0x4  }
0xc0: {  	v11 =	vshll.u32 v3, $0x2  }
0xc1: {  	v3 =	vand.u32 $0x7, v3;
	v4 =	vand.u32 $0xFFFFFFE0, v11  }
0xc2: {  	v3 =	vor.u32 v3, v4  }
0xc3: {  	v4 =	vperm.xlane v3, v0;
	_ =	sdelay $0x1  }
0xc4: {  	v4 =	vadd.s32 v1, v4;
	_ =	sdelay $0x1  }
0xc5: {  	v3 =	vperm.xlane v3, v2;
	_ =	sdelay $0x1  }
0xc6: {  	s29 =	simm.s32 $0x16400;
	v3 =	vadd.s32 v1, v3  }
0xc7: {  	[tilespmem:s29], [sflag:$0x3] =	stream.indirect_vreg.gather [hbm4b:s2+s3], $0x80, v4, vm0, $0xb8;
	[tilespmem:$0x1E400] =	vst v63  }
0xc8: {  	s8 =	simm.s32 $0x16C00  }
0xc9: {  	[tilespmem:s8], [sflag:$0x3] =	stream.indirect_vreg.gather [hbm4b:s5+s3], $0x80, v4, vm0, $0xb8;
	[tilespmem:$0x1E400] =	vst v63  }
0xca: {  	s13 =	simm.s32 $0x17400  }
0xcb: {  	[tilespmem:s13], [sflag:$0x3] =	stream.indirect_vreg.gather [hbm4b:s2+s3], $0x80, v3, vm0, $0xb8;
	[tilespmem:$0x1E400] =	vst v63  }
0xcc: {  	s14 =	simm.s32 $0x17C00  }
0xcd: {  	[tilespmem:s14], [sflag:$0x3] =	stream.indirect_vreg.gather [hbm4b:s5+s3], $0x80, v3, vm0, $0xb8;
	[tilespmem:$0x1E400] =	vst v63  }
0xce: {  	v3 =	vld [tilespmem:$0xC0];
	_ =	sdelay $0x4  }
0xcf: {  	v12 =	vshll.u32 v3, $0x2  }
0xd0: {  	v3 =	vand.u32 $0x7, v3;
	v4 =	vand.u32 $0xFFFFFFE0, v12  }
0xd1: {  	v3 =	vor.u32 v3, v4  }
0xd2: {  	v4 =	vperm.xlane v3, v0;
	_ =	sdelay $0x1  }
0xd3: {  	v4 =	vadd.s32 v1, v4;
	_ =	sdelay $0x1  }
0xd4: {  	v3 =	vperm.xlane v3, v2;
	_ =	sdelay $0x1  }
0xd5: {  	s16 =	simm.s32 $0x18400;
	v3 =	vadd.s32 v1, v3  }
0xd6: {  	[tilespmem:s16], [sflag:$0x3] =	stream.indirect_vreg.gather [hbm4b:s2+s3], $0x80, v4, vm0, $0xb8;
	[tilespmem:$0x1E400] =	vst v63  }
0xd7: {  	s17 =	simm.s32 $0x18C00  }
0xd8: {  	[tilespmem:s17], [sflag:$0x3] =	stream.indirect_vreg.gather [hbm4b:s5+s3], $0x80, v4, vm0, $0xb8;
	[tilespmem:$0x1E400] =	vst v63  }
0xd9: {  	s19 =	simm.s32 $0x19400  }
0xda: {  	[tilespmem:s19], [sflag:$0x3] =	stream.indirect_vreg.gather [hbm4b:s2+s3], $0x80, v3, vm0, $0xb8;
	[tilespmem:$0x1E400] =	vst v63  }
0xdb: {  	s20 =	simm.s32 $0x19C00  }
0xdc: {  	[tilespmem:s20], [sflag:$0x3] =	stream.indirect_vreg.gather [hbm4b:s5+s3], $0x80, v3, vm0, $0xb8;
	[tilespmem:$0x1E400] =	vst v63  }
0xdd: {  	v3 =	vld [tilespmem:$0xD0];
	_ =	sdelay $0x4  }
0xde: {  	v13 =	vshll.u32 v3, $0x2  }
0xdf: {  	v3 =	vand.u32 $0x7, v3;
	v4 =	vand.u32 $0xFFFFFFE0, v13  }
0xe0: {  	v3 =	vor.u32 v3, v4  }
0xe1: {  	v4 =	vperm.xlane v3, v0;
	_ =	sdelay $0x1  }
0xe2: {  	v4 =	vadd.s32 v1, v4;
	_ =	sdelay $0x1  }
0xe3: {  	v3 =	vperm.xlane v3, v2;
	_ =	sdelay $0x1  }
0xe4: {  	s25 =	simm.s32 $0x1A400;
	v3 =	vadd.s32 v1, v3  }
0xe5: {  	[tilespmem:s25], [sflag:$0x3] =	stream.indirect_vreg.gather [hbm4b:s2+s3], $0x80, v4, vm0, $0xb8;
	[tilespmem:$0x1E400] =	vst v63  }
0xe6: {  	s29 =	simm.s32 $0x1AC00  }
0xe7: {  	[tilespmem:s29], [sflag:$0x3] =	stream.indirect_vreg.gather [hbm4b:s5+s3], $0x80, v4, vm0, $0xb8;
	[tilespmem:$0x1E400] =	vst v63  }
0xe8: {  	s8 =	simm.s32 $0x1B400  }
0xe9: {  	[tilespmem:s8], [sflag:$0x3] =	stream.indirect_vreg.gather [hbm4b:s2+s3], $0x80, v3, vm0, $0xb8;
	[tilespmem:$0x1E400] =	vst v63  }
0xea: {  	s13 =	simm.s32 $0x1BC00  }
0xeb: {  	[tilespmem:s13], [sflag:$0x3] =	stream.indirect_vreg.gather [hbm4b:s5+s3], $0x80, v3, vm0, $0xb8;
	[tilespmem:$0x1E400] =	vst v63  }
0xec: {  	v3 =	vld [tilespmem:$0xE0];
	_ =	sdelay $0x4  }
0xed: {  	v14 =	vshll.u32 v3, $0x2  }
0xee: {  	v3 =	vand.u32 $0x7, v3;
	v4 =	vand.u32 $0xFFFFFFE0, v14  }
0xef: {  	v3 =	vor.u32 v3, v4  }
0xf0: {  	v4 =	vperm.xlane v3, v0;
	_ =	sdelay $0x1  }
0xf1: {  	v4 =	vadd.s32 v1, v4;
	_ =	sdelay $0x1  }
0xf2: {  	v3 =	vperm.xlane v3, v2;
	_ =	sdelay $0x1  }
0xf3: {  	s14 =	simm.s32 $0x1C400;
	v3 =	vadd.s32 v1, v3  }
0xf4: {  	[tilespmem:s14], [sflag:$0x3] =	stream.indirect_vreg.gather [hbm4b:s2+s3], $0x80, v4, vm0, $0xb8;
	[tilespmem:$0x1E400] =	vst v63  }
0xf5: {  	s16 =	simm.s32 $0x1CC00  }
0xf6: {  	[tilespmem:s16], [sflag:$0x3] =	stream.indirect_vreg.gather [hbm4b:s5+s3], $0x80, v4, vm0, $0xb8;
	[tilespmem:$0x1E400] =	vst v63  }
0xf7: {  	s17 =	simm.s32 $0x1D400  }
0xf8: {  	[tilespmem:s17], [sflag:$0x3] =	stream.indirect_vreg.gather [hbm4b:s2+s3], $0x80, v3, vm0, $0xb8;
	[tilespmem:$0x1E400] =	vst v63  }
0xf9: {  	s19 =	simm.s32 $0x1DC00  }
0xfa: {  	[tilespmem:s19], [sflag:$0x3] =	stream.indirect_vreg.gather [hbm4b:s5+s3], $0x80, v3, vm0, $0xb8;
	[tilespmem:$0x1E400] =	vst v63  }
0xfb: {  	_ =	swait.ge [sflag:s31], $0xA000  }
0xfc: {  	[sflag:s31] =	ssyncset.done $0x0  }
0xfd: {  	s29 =	simm.s32 $0x400;
	s20 =	rddreg [dreg:$0x11];
	[sflag:s31] =	ssyncadd.s32 $0xFFFF6000  }
0xfe: {  	[hbm4b:s20+s3] =	stream.linear.scatter [tilespmem:s29], [sflag:$0x4], $0xA000, $0x38;
	[tilespmem:$0x1E400] =	vst v63  }
0xff: {  	_ =	swait.ge [sflag:s1], $0xA000  }
0x100: {  	[sflag:s1] =	ssyncset.done $0x0  }
0x101: {  	[sflag:s1] =	ssyncadd.s32 $0xFFFF6000  }
0x102: {  	v3 =	vld [tilespmem:$0xF0];
	_ =	sdelay $0x4  }
0x103: {  	v15 =	vshll.u32 v3, $0x2  }
0x104: {  	v3 =	vand.u32 $0x7, v3;
	v4 =	vand.u32 $0xFFFFFFE0, v15  }
0x105: {  	v3 =	vor.u32 v3, v4  }
0x106: {  	v4 =	vperm.xlane v3, v0;
	_ =	sdelay $0x1  }
0x107: {  	v4 =	vadd.s32 v1, v4;
	_ =	sdelay $0x1  }
0x108: {  	v3 =	vperm.xlane v3, v2;
	_ =	sdelay $0x1  }
0x109: {  	v3 =	vadd.s32 v1, v3  }
0x10a: {  	[tilespmem:s29], [sflag:$0x1] =	stream.indirect_vreg.gather [hbm4b:s2+s3], $0x80, v4, vm0, $0xb8;
	[tilespmem:$0x1E400] =	vst v63  }
0x10b: {  	s29 =	simm.s32 $0xC00  }
0x10c: {  	[tilespmem:s29], [sflag:$0x1] =	stream.indirect_vreg.gather [hbm4b:s5+s3], $0x80, v4, vm0, $0xb8;
	[tilespmem:$0x1E400] =	vst v63  }
0x10d: {  	s11 =	simm.s32 $0x1400  }
0x10e: {  	[tilespmem:s11], [sflag:$0x1] =	stream.indirect_vreg.gather [hbm4b:s2+s3], $0x80, v3, vm0, $0xb8;
	[tilespmem:$0x1E400] =	vst v63  }
0x10f: {  	s12 =	simm.s32 $0x1C00  }
0x110: {  	[tilespmem:s12], [sflag:$0x1] =	stream.indirect_vreg.gather [hbm4b:s5+s3], $0x80, v3, vm0, $0xb8;
	[tilespmem:$0x1E400] =	vst v63  }
0x111: {  	v3 =	vld [tilespmem:$0x100];
	_ =	sdelay $0x4  }
0x112: {  	v16 =	vshll.u32 v3, $0x2  }
0x113: {  	v3 =	vand.u32 $0x7, v3;
	v4 =	vand.u32 $0xFFFFFFE0, v16  }
0x114: {  	v3 =	vor.u32 v3, v4  }
0x115: {  	v4 =	vperm.xlane v3, v0;
	_ =	sdelay $0x1  }
0x116: {  	v4 =	vadd.s32 v1, v4;
	_ =	sdelay $0x1  }
0x117: {  	v3 =	vperm.xlane v3, v2;
	_ =	sdelay $0x1  }
0x118: {  	s12 =	simm.s32 $0x2400;
	v3 =	vadd.s32 v1, v3  }
0x119: {  	[tilespmem:s12], [sflag:$0x1] =	stream.indirect_vreg.gather [hbm4b:s2+s3], $0x80, v4, vm0, $0xb8;
	[tilespmem:$0x1E400] =	vst v63  }
0x11a: {  	s13 =	simm.s32 $0x2C00  }
0x11b: {  	[tilespmem:s13], [sflag:$0x1] =	stream.indirect_vreg.gather [hbm4b:s5+s3], $0x80, v4, vm0, $0xb8;
	[tilespmem:$0x1E400] =	vst v63  }
0x11c: {  	s14 =	simm.s32 $0x3400  }
0x11d: {  	[tilespmem:s14], [sflag:$0x1] =	stream.indirect_vreg.gather [hbm4b:s2+s3], $0x80, v3, vm0, $0xb8;
	[tilespmem:$0x1E400] =	vst v63  }
0x11e: {  	s15 =	simm.s32 $0x3C00  }
0x11f: {  	[tilespmem:s15], [sflag:$0x1] =	stream.indirect_vreg.gather [hbm4b:s5+s3], $0x80, v3, vm0, $0xb8;
	[tilespmem:$0x1E400] =	vst v63  }
0x120: {  	v3 =	vld [tilespmem:$0x110];
	_ =	sdelay $0x4  }
0x121: {  	v17 =	vshll.u32 v3, $0x2  }
0x122: {  	v3 =	vand.u32 $0x7, v3;
	v4 =	vand.u32 $0xFFFFFFE0, v17  }
0x123: {  	v3 =	vor.u32 v3, v4  }
0x124: {  	v4 =	vperm.xlane v3, v0;
	_ =	sdelay $0x1  }
0x125: {  	v4 =	vadd.s32 v1, v4;
	_ =	sdelay $0x1  }
0x126: {  	v3 =	vperm.xlane v3, v2;
	_ =	sdelay $0x1  }
0x127: {  	s15 =	simm.s32 $0x4400;
	v3 =	vadd.s32 v1, v3  }
0x128: {  	[tilespmem:s15], [sflag:$0x1] =	stream.indirect_vreg.gather [hbm4b:s2+s3], $0x80, v4, vm0, $0xb8;
	[tilespmem:$0x1E400] =	vst v63  }
0x129: {  	s16 =	simm.s32 $0x4C00  }
0x12a: {  	[tilespmem:s16], [sflag:$0x1] =	stream.indirect_vreg.gather [hbm4b:s5+s3], $0x80, v4, vm0, $0xb8;
	[tilespmem:$0x1E400] =	vst v63  }
0x12b: {  	s17 =	simm.s32 $0x5400  }
0x12c: {  	[tilespmem:s17], [sflag:$0x1] =	stream.indirect_vreg.gather [hbm4b:s2+s3], $0x80, v3, vm0, $0xb8;
	[tilespmem:$0x1E400] =	vst v63  }
0x12d: {  	s18 =	simm.s32 $0x5C00  }
0x12e: {  	[tilespmem:s18], [sflag:$0x1] =	stream.indirect_vreg.gather [hbm4b:s5+s3], $0x80, v3, vm0, $0xb8;
	[tilespmem:$0x1E400] =	vst v63  }
0x12f: {  	v3 =	vld [tilespmem:$0x120];
	_ =	sdelay $0x4  }
0x130: {  	v18 =	vshll.u32 v3, $0x2  }
0x131: {  	v3 =	vand.u32 $0x7, v3;
	v4 =	vand.u32 $0xFFFFFFE0, v18  }
0x132: {  	v3 =	vor.u32 v3, v4  }
0x133: {  	v4 =	vperm.xlane v3, v0;
	_ =	sdelay $0x1  }
0x134: {  	v4 =	vadd.s32 v1, v4;
	_ =	sdelay $0x1  }
0x135: {  	v3 =	vperm.xlane v3, v2;
	_ =	sdelay $0x1  }
0x136: {  	s18 =	simm.s32 $0x6400;
	v3 =	vadd.s32 v1, v3  }
0x137: {  	[tilespmem:s18], [sflag:$0x1] =	stream.indirect_vreg.gather [hbm4b:s2+s3], $0x80, v4, vm0, $0xb8;
	[tilespmem:$0x1E400] =	vst v63  }
0x138: {  	s19 =	simm.s32 $0x6C00  }
0x139: {  	[tilespmem:s19], [sflag:$0x1] =	stream.indirect_vreg.gather [hbm4b:s5+s3], $0x80, v4, vm0, $0xb8;
	[tilespmem:$0x1E400] =	vst v63  }
0x13a: {  	s20 =	simm.s32 $0x7400  }
0x13b: {  	[tilespmem:s20], [sflag:$0x1] =	stream.indirect_vreg.gather [hbm4b:s2+s3], $0x80, v3, vm0, $0xb8;
	[tilespmem:$0x1E400] =	vst v63  }
0x13c: {  	s0 =	simm.s32 $0x7C00  }
0x13d: {  	[tilespmem:s0], [sflag:$0x1] =	stream.indirect_vreg.gather [hbm4b:s5+s3], $0x80, v3, vm0, $0xb8;
	[tilespmem:$0x1E400] =	vst v63  }
0x13e: {  	v3 =	vld [tilespmem:$0x130];
	_ =	sdelay $0x4  }
0x13f: {  	v19 =	vshll.u32 v3, $0x2  }
0x140: {  	v3 =	vand.u32 $0x7, v3;
	v4 =	vand.u32 $0xFFFFFFE0, v19  }
0x141: {  	v3 =	vor.u32 v3, v4  }
0x142: {  	v4 =	vperm.xlane v3, v0;
	_ =	sdelay $0x1  }
0x143: {  	v4 =	vadd.s32 v1, v4;
	_ =	sdelay $0x1  }
0x144: {  	v3 =	vperm.xlane v3, v2;
	_ =	sdelay $0x1  }
0x145: {  	s8 =	simm.s32 $0x8400;
	v3 =	vadd.s32 v1, v3  }
0x146: {  	[tilespmem:s8], [sflag:$0x1] =	stream.indirect_vreg.gather [hbm4b:s2+s3], $0x80, v4, vm0, $0xb8;
	[tilespmem:$0x1E400] =	vst v63  }
0x147: {  	s25 =	simm.s32 $0x8C00  }
0x148: {  	[tilespmem:s25], [sflag:$0x1] =	stream.indirect_vreg.gather [hbm4b:s5+s3], $0x80, v4, vm0, $0xb8;
	[tilespmem:$0x1E400] =	vst v63  }
0x149: {  	s8 =	simm.s32 $0x9400  }
0x14a: {  	[tilespmem:s8], [sflag:$0x1] =	stream.indirect_vreg.gather [hbm4b:s2+s3], $0x80, v3, vm0, $0xb8;
	[tilespmem:$0x1E400] =	vst v63  }
0x14b: {  	s25 =	simm.s32 $0x9C00  }
0x14c: {  	[tilespmem:s25], [sflag:$0x1] =	stream.indirect_vreg.gather [hbm4b:s5+s3], $0x80, v3, vm0, $0xb8;
	[tilespmem:$0x1E400] =	vst v63  }
0x14d: {  	_ =	swait.ge [sflag:s10], $0xA000  }
0x14e: {  	[sflag:s10] =	ssyncset.done $0x0  }
0x14f: {  	s0 =	simm.s32 $0xA400;
	s8 =	rddreg [dreg:$0x5];
	[sflag:s10] =	ssyncadd.s32 $0xFFFF6000  }
0x150: {  	[hbm4b:s8+s3] =	stream.linear.scatter [tilespmem:s0], [sflag:$0x5], $0xA000, $0x38;
	[tilespmem:$0x1E400] =	vst v63  }
0x151: {  	_ =	swait.ge [sflag:s4], $0xA000  }
0x152: {  	[sflag:s4] =	ssyncset.done $0x0  }
0x153: {  	[sflag:s4] =	ssyncadd.s32 $0xFFFF6000  }
0x154: {  	v3 =	vld [tilespmem:$0x140];
	_ =	sdelay $0x4  }
0x155: {  	v20 =	vshll.u32 v3, $0x2  }
0x156: {  	v3 =	vand.u32 $0x7, v3;
	v4 =	vand.u32 $0xFFFFFFE0, v20  }
0x157: {  	v3 =	vor.u32 v3, v4  }
0x158: {  	v4 =	vperm.xlane v3, v0;
	_ =	sdelay $0x1  }
0x159: {  	v4 =	vadd.s32 v1, v4;
	_ =	sdelay $0x1  }
0x15a: {  	v3 =	vperm.xlane v3, v2;
	_ =	sdelay $0x1  }
0x15b: {  	v3 =	vadd.s32 v1, v3  }
0x15c: {  	[tilespmem:s0], [sflag:$0x2] =	stream.indirect_vreg.gather [hbm4b:s2+s3], $0x80, v4, vm0, $0xb8;
	[tilespmem:$0x1E400] =	vst v63  }
0x15d: {  	s21 =	simm.s32 $0xAC00  }
0x15e: {  	[tilespmem:s21], [sflag:$0x2] =	stream.indirect_vreg.gather [hbm4b:s5+s3], $0x80, v4, vm0, $0xb8;
	[tilespmem:$0x1E400] =	vst v63  }
0x15f: {  	s23 =	simm.s32 $0xB400  }
0x160: {  	[tilespmem:s23], [sflag:$0x2] =	stream.indirect_vreg.gather [hbm4b:s2+s3], $0x80, v3, vm0, $0xb8;
	[tilespmem:$0x1E400] =	vst v63  }
0x161: {  	s9 =	simm.s32 $0xBC00  }
0x162: {  	[tilespmem:s9], [sflag:$0x2] =	stream.indirect_vreg.gather [hbm4b:s5+s3], $0x80, v3, vm0, $0xb8;
	[tilespmem:$0x1E400] =	vst v63  }
0x163: {  	v3 =	vld [tilespmem:$0x150];
	_ =	sdelay $0x4  }
0x164: {  	v21 =	vshll.u32 v3, $0x2  }
0x165: {  	v3 =	vand.u32 $0x7, v3;
	v4 =	vand.u32 $0xFFFFFFE0, v21  }
0x166: {  	v3 =	vor.u32 v3, v4  }
0x167: {  	v4 =	vperm.xlane v3, v0;
	_ =	sdelay $0x1  }
0x168: {  	v4 =	vadd.s32 v1, v4;
	_ =	sdelay $0x1  }
0x169: {  	v3 =	vperm.xlane v3, v2;
	_ =	sdelay $0x1  }
0x16a: {  	s26 =	simm.s32 $0xC400;
	v3 =	vadd.s32 v1, v3  }
0x16b: {  	[tilespmem:s26], [sflag:$0x2] =	stream.indirect_vreg.gather [hbm4b:s2+s3], $0x80, v4, vm0, $0xb8;
	[tilespmem:$0x1E400] =	vst v63  }
0x16c: {  	s30 =	simm.s32 $0xCC00  }
0x16d: {  	[tilespmem:s30], [sflag:$0x2] =	stream.indirect_vreg.gather [hbm4b:s5+s3], $0x80, v4, vm0, $0xb8;
	[tilespmem:$0x1E400] =	vst v63  }
0x16e: {  	s9 =	simm.s32 $0xD400  }
0x16f: {  	[tilespmem:s9], [sflag:$0x2] =	stream.indirect_vreg.gather [hbm4b:s2+s3], $0x80, v3, vm0, $0xb8;
	[tilespmem:$0x1E400] =	vst v63  }
0x170: {  	s26 =	simm.s32 $0xDC00  }
0x171: {  	[tilespmem:s26], [sflag:$0x2] =	stream.indirect_vreg.gather [hbm4b:s5+s3], $0x80, v3, vm0, $0xb8;
	[tilespmem:$0x1E400] =	vst v63  }
0x172: {  	v3 =	vld [tilespmem:$0x160];
	_ =	sdelay $0x4  }
0x173: {  	v22 =	vshll.u32 v3, $0x2  }
0x174: {  	v3 =	vand.u32 $0x7, v3;
	v4 =	vand.u32 $0xFFFFFFE0, v22  }
0x175: {  	v3 =	vor.u32 v3, v4  }
0x176: {  	v4 =	vperm.xlane v3, v0;
	_ =	sdelay $0x1  }
0x177: {  	v4 =	vadd.s32 v1, v4;
	_ =	sdelay $0x1  }
0x178: {  	v3 =	vperm.xlane v3, v2;
	_ =	sdelay $0x1  }
0x179: {  	s30 =	simm.s32 $0xE400;
	v3 =	vadd.s32 v1, v3  }
0x17a: {  	[tilespmem:s30], [sflag:$0x2] =	stream.indirect_vreg.gather [hbm4b:s2+s3], $0x80, v4, vm0, $0xb8;
	[tilespmem:$0x1E400] =	vst v63  }
0x17b: {  	s8 =	simm.s32 $0xEC00  }
0x17c: {  	[tilespmem:s8], [sflag:$0x2] =	stream.indirect_vreg.gather [hbm4b:s5+s3], $0x80, v4, vm0, $0xb8;
	[tilespmem:$0x1E400] =	vst v63  }
0x17d: {  	s21 =	simm.s32 $0xF400  }
0x17e: {  	[tilespmem:s21], [sflag:$0x2] =	stream.indirect_vreg.gather [hbm4b:s2+s3], $0x80, v3, vm0, $0xb8;
	[tilespmem:$0x1E400] =	vst v63  }
0x17f: {  	s23 =	simm.s32 $0xFC00  }
0x180: {  	[tilespmem:s23], [sflag:$0x2] =	stream.indirect_vreg.gather [hbm4b:s5+s3], $0x80, v3, vm0, $0xb8;
	[tilespmem:$0x1E400] =	vst v63  }
0x181: {  	v3 =	vld [tilespmem:$0x170];
	_ =	sdelay $0x4  }
0x182: {  	v23 =	vshll.u32 v3, $0x2  }
0x183: {  	v3 =	vand.u32 $0x7, v3;
	v4 =	vand.u32 $0xFFFFFFE0, v23  }
0x184: {  	v3 =	vor.u32 v3, v4  }
0x185: {  	v4 =	vperm.xlane v3, v0;
	_ =	sdelay $0x1  }
0x186: {  	v4 =	vadd.s32 v1, v4;
	_ =	sdelay $0x1  }
0x187: {  	v3 =	vperm.xlane v3, v2;
	_ =	sdelay $0x1  }
0x188: {  	s25 =	simm.s32 $0x10400;
	v3 =	vadd.s32 v1, v3  }
0x189: {  	[tilespmem:s25], [sflag:$0x2] =	stream.indirect_vreg.gather [hbm4b:s2+s3], $0x80, v4, vm0, $0xb8;
	[tilespmem:$0x1E400] =	vst v63  }
0x18a: {  	s26 =	simm.s32 $0x10C00  }
0x18b: {  	[tilespmem:s26], [sflag:$0x2] =	stream.indirect_vreg.gather [hbm4b:s5+s3], $0x80, v4, vm0, $0xb8;
	[tilespmem:$0x1E400] =	vst v63  }
0x18c: {  	s30 =	simm.s32 $0x11400  }
0x18d: {  	[tilespmem:s30], [sflag:$0x2] =	stream.indirect_vreg.gather [hbm4b:s2+s3], $0x80, v3, vm0, $0xb8;
	[tilespmem:$0x1E400] =	vst v63  }
0x18e: {  	s8 =	simm.s32 $0x11C00  }
0x18f: {  	[tilespmem:s8], [sflag:$0x2] =	stream.indirect_vreg.gather [hbm4b:s5+s3], $0x80, v3, vm0, $0xb8;
	[tilespmem:$0x1E400] =	vst v63  }
0x190: {  	v3 =	vld [tilespmem:$0x180];
	_ =	sdelay $0x4  }
0x191: {  	v24 =	vshll.u32 v3, $0x2  }
0x192: {  	v3 =	vand.u32 $0x7, v3;
	v4 =	vand.u32 $0xFFFFFFE0, v24  }
0x193: {  	v3 =	vor.u32 v3, v4  }
0x194: {  	v4 =	vperm.xlane v3, v0;
	_ =	sdelay $0x1  }
0x195: {  	v4 =	vadd.s32 v1, v4;
	_ =	sdelay $0x1  }
0x196: {  	v3 =	vperm.xlane v3, v2;
	_ =	sdelay $0x1  }
0x197: {  	s21 =	simm.s32 $0x12400;
	v3 =	vadd.s32 v1, v3  }
0x198: {  	[tilespmem:s21], [sflag:$0x2] =	stream.indirect_vreg.gather [hbm4b:s2+s3], $0x80, v4, vm0, $0xb8;
	[tilespmem:$0x1E400] =	vst v63  }
0x199: {  	s23 =	simm.s32 $0x12C00  }
0x19a: {  	[tilespmem:s23], [sflag:$0x2] =	stream.indirect_vreg.gather [hbm4b:s5+s3], $0x80, v4, vm0, $0xb8;
	[tilespmem:$0x1E400] =	vst v63  }
0x19b: {  	s25 =	simm.s32 $0x13400  }
0x19c: {  	[tilespmem:s25], [sflag:$0x2] =	stream.indirect_vreg.gather [hbm4b:s2+s3], $0x80, v3, vm0, $0xb8;
	[tilespmem:$0x1E400] =	vst v63  }
0x19d: {  	s26 =	simm.s32 $0x13C00  }
0x19e: {  	[tilespmem:s26], [sflag:$0x2] =	stream.indirect_vreg.gather [hbm4b:s5+s3], $0x80, v3, vm0, $0xb8;
	[tilespmem:$0x1E400] =	vst v63  }
0x19f: {  	_ =	swait.ge [sflag:s7], $0xA000  }
0x1a0: {  	[sflag:s7] =	ssyncset.done $0x0  }
0x1a1: {  	s0 =	simm.s32 $0x14400;
	s30 =	rddreg [dreg:$0x6];
	[sflag:s7] =	ssyncadd.s32 $0xFFFF6000  }
0x1a2: {  	[hbm4b:s30+s3] =	stream.linear.scatter [tilespmem:s0], [sflag:$0x6], $0xA000, $0x38;
	[tilespmem:$0x1E400] =	vst v63  }
0x1a3: {  	_ =	swait.ge [sflag:s24], $0xA000  }
0x1a4: {  	[sflag:s24] =	ssyncset.done $0x0  }
0x1a5: {  	[sflag:s24] =	ssyncadd.s32 $0xFFFF6000  }
0x1a6: {  	v3 =	vld [tilespmem:$0x190];
	_ =	sdelay $0x4  }
0x1a7: {  	v25 =	vshll.u32 v3, $0x2  }
0x1a8: {  	v3 =	vand.u32 $0x7, v3;
	v4 =	vand.u32 $0xFFFFFFE0, v25  }
0x1a9: {  	v3 =	vor.u32 v3, v4  }
0x1aa: {  	v4 =	vperm.xlane v3, v0;
	_ =	sdelay $0x1  }
0x1ab: {  	v4 =	vadd.s32 v1, v4;
	_ =	sdelay $0x1  }
0x1ac: {  	v3 =	vperm.xlane v3, v2;
	_ =	sdelay $0x1  }
0x1ad: {  	v3 =	vadd.s32 v1, v3  }
0x1ae: {  	[tilespmem:s0], [sflag:$0x3] =	stream.indirect_vreg.gather [hbm4b:s2+s3], $0x80, v4, vm0, $0xb8;
	[tilespmem:$0x1E400] =	vst v63  }
0x1af: {  	s23 =	simm.s32 $0x14C00  }
0x1b0: {  	[tilespmem:s23], [sflag:$0x3] =	stream.indirect_vreg.gather [hbm4b:s5+s3], $0x80, v4, vm0, $0xb8;
	[tilespmem:$0x1E400] =	vst v63  }
0x1b1: {  	s26 =	simm.s32 $0x15400  }
0x1b2: {  	[tilespmem:s26], [sflag:$0x3] =	stream.indirect_vreg.gather [hbm4b:s2+s3], $0x80, v3, vm0, $0xb8;
	[tilespmem:$0x1E400] =	vst v63  }
0x1b3: {  	s8 =	simm.s32 $0x15C00  }
0x1b4: {  	[tilespmem:s8], [sflag:$0x3] =	stream.indirect_vreg.gather [hbm4b:s5+s3], $0x80, v3, vm0, $0xb8;
	[tilespmem:$0x1E400] =	vst v63  }
0x1b5: {  	v3 =	vld [tilespmem:$0x1A0];
	_ =	sdelay $0x4  }
0x1b6: {  	v26 =	vshll.u32 v3, $0x2  }
0x1b7: {  	v3 =	vand.u32 $0x7, v3;
	v4 =	vand.u32 $0xFFFFFFE0, v26  }
0x1b8: {  	v3 =	vor.u32 v3, v4  }
0x1b9: {  	v4 =	vperm.xlane v3, v0;
	_ =	sdelay $0x1  }
0x1ba: {  	v4 =	vadd.s32 v1, v4;
	_ =	sdelay $0x1  }
0x1bb: {  	v3 =	vperm.xlane v3, v2;
	_ =	sdelay $0x1  }
0x1bc: {  	s30 =	simm.s32 $0x16400;
	v3 =	vadd.s32 v1, v3  }
0x1bd: {  	[tilespmem:s30], [sflag:$0x3] =	stream.indirect_vreg.gather [hbm4b:s2+s3], $0x80, v4, vm0, $0xb8;
	[tilespmem:$0x1E400] =	vst v63  }
0x1be: {  	s21 =	simm.s32 $0x16C00  }
0x1bf: {  	[tilespmem:s21], [sflag:$0x3] =	stream.indirect_vreg.gather [hbm4b:s5+s3], $0x80, v4, vm0, $0xb8;
	[tilespmem:$0x1E400] =	vst v63  }
0x1c0: {  	s21 =	simm.s32 $0x17400  }
0x1c1: {  	[tilespmem:s21], [sflag:$0x3] =	stream.indirect_vreg.gather [hbm4b:s2+s3], $0x80, v3, vm0, $0xb8;
	[tilespmem:$0x1E400] =	vst v63  }
0x1c2: {  	s22 =	simm.s32 $0x17C00  }
0x1c3: {  	[tilespmem:s22], [sflag:$0x3] =	stream.indirect_vreg.gather [hbm4b:s5+s3], $0x80, v3, vm0, $0xb8;
	[tilespmem:$0x1E400] =	vst v63  }
0x1c4: {  	v3 =	vld [tilespmem:$0x1B0];
	_ =	sdelay $0x4  }
0x1c5: {  	v27 =	vshll.u32 v3, $0x2  }
0x1c6: {  	v3 =	vand.u32 $0x7, v3;
	v4 =	vand.u32 $0xFFFFFFE0, v27  }
0x1c7: {  	v3 =	vor.u32 v3, v4  }
0x1c8: {  	v4 =	vperm.xlane v3, v0;
	_ =	sdelay $0x1  }
0x1c9: {  	v4 =	vadd.s32 v1, v4;
	_ =	sdelay $0x1  }
0x1ca: {  	v3 =	vperm.xlane v3, v2;
	_ =	sdelay $0x1  }
0x1cb: {  	s22 =	simm.s32 $0x18400;
	v3 =	vadd.s32 v1, v3  }
0x1cc: {  	[tilespmem:s22], [sflag:$0x3] =	stream.indirect_vreg.gather [hbm4b:s2+s3], $0x80, v4, vm0, $0xb8;
	[tilespmem:$0x1E400] =	vst v63  }
0x1cd: {  	s8 =	simm.s32 $0x18C00  }
0x1ce: {  	[tilespmem:s8], [sflag:$0x3] =	stream.indirect_vreg.gather [hbm4b:s5+s3], $0x80, v4, vm0, $0xb8;
	[tilespmem:$0x1E400] =	vst v63  }
0x1cf: {  	s25 =	simm.s32 $0x19400  }
0x1d0: {  	[tilespmem:s25], [sflag:$0x3] =	stream.indirect_vreg.gather [hbm4b:s2+s3], $0x80, v3, vm0, $0xb8;
	[tilespmem:$0x1E400] =	vst v63  }
0x1d1: {  	s28 =	simm.s32 $0x19C00  }
0x1d2: {  	[tilespmem:s28], [sflag:$0x3] =	stream.indirect_vreg.gather [hbm4b:s5+s3], $0x80, v3, vm0, $0xb8;
	[tilespmem:$0x1E400] =	vst v63  }
0x1d3: {  	v3 =	vld [tilespmem:$0x1C0];
	_ =	sdelay $0x4  }
0x1d4: {  	v28 =	vshll.u32 v3, $0x2  }
0x1d5: {  	v3 =	vand.u32 $0x7, v3;
	v4 =	vand.u32 $0xFFFFFFE0, v28  }
0x1d6: {  	v3 =	vor.u32 v3, v4  }
0x1d7: {  	v4 =	vperm.xlane v3, v0;
	_ =	sdelay $0x1  }
0x1d8: {  	v4 =	vadd.s32 v1, v4;
	_ =	sdelay $0x1  }
0x1d9: {  	v3 =	vperm.xlane v3, v2;
	_ =	sdelay $0x1  }
0x1da: {  	s28 =	simm.s32 $0x1A400;
	v3 =	vadd.s32 v1, v3  }
0x1db: {  	[tilespmem:s28], [sflag:$0x3] =	stream.indirect_vreg.gather [hbm4b:s2+s3], $0x80, v4, vm0, $0xb8;
	[tilespmem:$0x1E400] =	vst v63  }
0x1dc: {  	s25 =	simm.s32 $0x1AC00  }
0x1dd: {  	[tilespmem:s25], [sflag:$0x3] =	stream.indirect_vreg.gather [hbm4b:s5+s3], $0x80, v4, vm0, $0xb8;
	[tilespmem:$0x1E400] =	vst v63  }
0x1de: {  	s25 =	simm.s32 $0x1B400  }
0x1df: {  	[tilespmem:s25], [sflag:$0x3] =	stream.indirect_vreg.gather [hbm4b:s2+s3], $0x80, v3, vm0, $0xb8;
	[tilespmem:$0x1E400] =	vst v63  }
0x1e0: {  	s25 =	simm.s32 $0x1BC00  }
0x1e1: {  	[tilespmem:s25], [sflag:$0x3] =	stream.indirect_vreg.gather [hbm4b:s5+s3], $0x80, v3, vm0, $0xb8;
	[tilespmem:$0x1E400] =	vst v63  }
0x1e2: {  	v3 =	vld [tilespmem:$0x1D0];
	_ =	sdelay $0x4  }
0x1e3: {  	v29 =	vshll.u32 v3, $0x2  }
0x1e4: {  	v3 =	vand.u32 $0x7, v3;
	v4 =	vand.u32 $0xFFFFFFE0, v29  }
0x1e5: {  	v3 =	vor.u32 v3, v4  }
0x1e6: {  	v4 =	vperm.xlane v3, v0;
	_ =	sdelay $0x1  }
0x1e7: {  	v4 =	vadd.s32 v1, v4;
	_ =	sdelay $0x1  }
0x1e8: {  	v3 =	vperm.xlane v3, v2;
	_ =	sdelay $0x1  }
0x1e9: {  	s25 =	simm.s32 $0x1C400;
	v3 =	vadd.s32 v1, v3  }
0x1ea: {  	[tilespmem:s25], [sflag:$0x3] =	stream.indirect_vreg.gather [hbm4b:s2+s3], $0x80, v4, vm0, $0xb8;
	[tilespmem:$0x1E400] =	vst v63  }
0x1eb: {  	s25 =	simm.s32 $0x1CC00  }
0x1ec: {  	[tilespmem:s25], [sflag:$0x3] =	stream.indirect_vreg.gather [hbm4b:s5+s3], $0x80, v4, vm0, $0xb8;
	[tilespmem:$0x1E400] =	vst v63  }
0x1ed: {  	s25 =	simm.s32 $0x1D400  }
0x1ee: {  	[tilespmem:s25], [sflag:$0x3] =	stream.indirect_vreg.gather [hbm4b:s2+s3], $0x80, v3, vm0, $0xb8;
	[tilespmem:$0x1E400] =	vst v63  }
0x1ef: {  	s25 =	simm.s32 $0x1DC00  }
0x1f0: {  	[tilespmem:s25], [sflag:$0x3] =	stream.indirect_vreg.gather [hbm4b:s5+s3], $0x80, v3, vm0, $0xb8;
	[tilespmem:$0x1E400] =	vst v63  }
0x1f1: {  	_ =	swait.ge [sflag:s31], $0xA000  }
0x1f2: {  	[sflag:s31] =	ssyncset.done $0x0  }
0x1f3: {  	s0 =	simm.s32 $0x400;
	s25 =	rddreg [dreg:$0x7];
	[sflag:s31] =	ssyncadd.s32 $0xFFFF6000  }
0x1f4: {  	[hbm4b:s25+s3] =	stream.linear.scatter [tilespmem:s0], [sflag:$0x4], $0xA000, $0x38;
	[tilespmem:$0x1E400] =	vst v63  }
0x1f5: {  	_ =	swait.ge [sflag:s1], $0xA000  }
0x1f6: {  	[sflag:s1] =	ssyncset.done $0x0  }
0x1f7: {  	[sflag:s1] =	ssyncadd.s32 $0xFFFF6000  }
0x1f8: {  	v3 =	vld [tilespmem:$0x1E0];
	_ =	sdelay $0x4  }
0x1f9: {  	v30 =	vshll.u32 v3, $0x2  }
0x1fa: {  	v3 =	vand.u32 $0x7, v3;
	v4 =	vand.u32 $0xFFFFFFE0, v30  }
0x1fb: {  	v3 =	vor.u32 v3, v4  }
0x1fc: {  	v4 =	vperm.xlane v3, v0;
	_ =	sdelay $0x1  }
0x1fd: {  	v4 =	vadd.s32 v1, v4;
	_ =	sdelay $0x1  }
0x1fe: {  	v3 =	vperm.xlane v3, v2;
	_ =	sdelay $0x1  }
0x1ff: {  	v3 =	vadd.s32 v1, v3  }
0x200: {  	[tilespmem:s0], [sflag:$0x1] =	stream.indirect_vreg.gather [hbm4b:s2+s3], $0x80, v4, vm0, $0xb8;
	[tilespmem:$0x1E400] =	vst v63  }
0x201: {  	_ = 	snop  }
0x202: {  	[tilespmem:s29], [sflag:$0x1] =	stream.indirect_vreg.gather [hbm4b:s5+s3], $0x80, v4, vm0, $0xb8;
	[tilespmem:$0x1E400] =	vst v63  }
0x203: {  	_ = 	snop  }
0x204: {  	[tilespmem:s11], [sflag:$0x1] =	stream.indirect_vreg.gather [hbm4b:s2+s3], $0x80, v3, vm0, $0xb8;
	[tilespmem:$0x1E400] =	vst v63  }
0x205: {  	s11 =	simm.s32 $0x1C00  }
0x206: {  	[tilespmem:s11], [sflag:$0x1] =	stream.indirect_vreg.gather [hbm4b:s5+s3], $0x80, v3, vm0, $0xb8;
	[tilespmem:$0x1E400] =	vst v63  }
0x207: {  	v3 =	vld [tilespmem:$0x1F0];
	_ =	sdelay $0x4  }
0x208: {  	v31 =	vshll.u32 v3, $0x2  }
0x209: {  	v3 =	vand.u32 $0x7, v3;
	v4 =	vand.u32 $0xFFFFFFE0, v31  }
0x20a: {  	v3 =	vor.u32 v3, v4  }
0x20b: {  	v4 =	vperm.xlane v3, v0;
	_ =	sdelay $0x1  }
0x20c: {  	v4 =	vadd.s32 v1, v4;
	_ =	sdelay $0x1  }
0x20d: {  	v3 =	vperm.xlane v3, v2;
	_ =	sdelay $0x1  }
0x20e: {  	v3 =	vadd.s32 v1, v3  }
0x20f: {  	[tilespmem:s12], [sflag:$0x1] =	stream.indirect_vreg.gather [hbm4b:s2+s3], $0x80, v4, vm0, $0xb8;
	[tilespmem:$0x1E400] =	vst v63  }
0x210: {  	_ = 	snop  }
0x211: {  	[tilespmem:s13], [sflag:$0x1] =	stream.indirect_vreg.gather [hbm4b:s5+s3], $0x80, v4, vm0, $0xb8;
	[tilespmem:$0x1E400] =	vst v63  }
0x212: {  	_ = 	snop  }
0x213: {  	[tilespmem:s14], [sflag:$0x1] =	stream.indirect_vreg.gather [hbm4b:s2+s3], $0x80, v3, vm0, $0xb8;
	[tilespmem:$0x1E400] =	vst v63  }
0x214: {  	s25 =	simm.s32 $0x3C00  }
0x215: {  	[tilespmem:s25], [sflag:$0x1] =	stream.indirect_vreg.gather [hbm4b:s5+s3], $0x80, v3, vm0, $0xb8;
	[tilespmem:$0x1E400] =	vst v63  }
0x216: {  	v3 =	vld [tilespmem:$0x200];
	_ =	sdelay $0x4  }
0x217: {  	v32 =	vshll.u32 v3, $0x2  }
0x218: {  	v3 =	vand.u32 $0x7, v3;
	v4 =	vand.u32 $0xFFFFFFE0, v32  }
0x219: {  	v3 =	vor.u32 v3, v4  }
0x21a: {  	v4 =	vperm.xlane v3, v0;
	_ =	sdelay $0x1  }
0x21b: {  	v4 =	vadd.s32 v1, v4;
	_ =	sdelay $0x1  }
0x21c: {  	v3 =	vperm.xlane v3, v2;
	_ =	sdelay $0x1  }
0x21d: {  	v3 =	vadd.s32 v1, v3  }
0x21e: {  	[tilespmem:s15], [sflag:$0x1] =	stream.indirect_vreg.gather [hbm4b:s2+s3], $0x80, v4, vm0, $0xb8;
	[tilespmem:$0x1E400] =	vst v63  }
0x21f: {  	_ = 	snop  }
0x220: {  	[tilespmem:s16], [sflag:$0x1] =	stream.indirect_vreg.gather [hbm4b:s5+s3], $0x80, v4, vm0, $0xb8;
	[tilespmem:$0x1E400] =	vst v63  }
0x221: {  	_ = 	snop  }
0x222: {  	[tilespmem:s17], [sflag:$0x1] =	stream.indirect_vreg.gather [hbm4b:s2+s3], $0x80, v3, vm0, $0xb8;
	[tilespmem:$0x1E400] =	vst v63  }
0x223: {  	s29 =	simm.s32 $0x5C00  }
0x224: {  	[tilespmem:s29], [sflag:$0x1] =	stream.indirect_vreg.gather [hbm4b:s5+s3], $0x80, v3, vm0, $0xb8;
	[tilespmem:$0x1E400] =	vst v63  }
0x225: {  	v3 =	vld [tilespmem:$0x210];
	_ =	sdelay $0x4  }
0x226: {  	v33 =	vshll.u32 v3, $0x2  }
0x227: {  	v3 =	vand.u32 $0x7, v3;
	v4 =	vand.u32 $0xFFFFFFE0, v33  }
0x228: {  	v3 =	vor.u32 v3, v4  }
0x229: {  	v4 =	vperm.xlane v3, v0;
	_ =	sdelay $0x1  }
0x22a: {  	v4 =	vadd.s32 v1, v4;
	_ =	sdelay $0x1  }
0x22b: {  	v3 =	vperm.xlane v3, v2;
	_ =	sdelay $0x1  }
0x22c: {  	v3 =	vadd.s32 v1, v3  }
0x22d: {  	[tilespmem:s18], [sflag:$0x1] =	stream.indirect_vreg.gather [hbm4b:s2+s3], $0x80, v4, vm0, $0xb8;
	[tilespmem:$0x1E400] =	vst v63  }
0x22e: {  	_ = 	snop  }
0x22f: {  	[tilespmem:s19], [sflag:$0x1] =	stream.indirect_vreg.gather [hbm4b:s5+s3], $0x80, v4, vm0, $0xb8;
	[tilespmem:$0x1E400] =	vst v63  }
0x230: {  	_ = 	snop  }
0x231: {  	[tilespmem:s20], [sflag:$0x1] =	stream.indirect_vreg.gather [hbm4b:s2+s3], $0x80, v3, vm0, $0xb8;
	[tilespmem:$0x1E400] =	vst v63  }
0x232: {  	s11 =	simm.s32 $0x7C00  }
0x233: {  	[tilespmem:s11], [sflag:$0x1] =	stream.indirect_vreg.gather [hbm4b:s5+s3], $0x80, v3, vm0, $0xb8;
	[tilespmem:$0x1E400] =	vst v63  }
0x234: {  	v3 =	vld [tilespmem:$0x220];
	_ =	sdelay $0x4  }
0x235: {  	v34 =	vshll.u32 v3, $0x2  }
0x236: {  	v3 =	vand.u32 $0x7, v3;
	v4 =	vand.u32 $0xFFFFFFE0, v34  }
0x237: {  	v3 =	vor.u32 v3, v4  }
0x238: {  	v4 =	vperm.xlane v3, v0;
	_ =	sdelay $0x1  }
0x239: {  	v4 =	vadd.s32 v1, v4;
	_ =	sdelay $0x1  }
0x23a: {  	v3 =	vperm.xlane v3, v2;
	_ =	sdelay $0x1  }
0x23b: {  	s12 =	simm.s32 $0x8400;
	v3 =	vadd.s32 v1, v3  }
0x23c: {  	[tilespmem:s12], [sflag:$0x1] =	stream.indirect_vreg.gather [hbm4b:s2+s3], $0x80, v4, vm0, $0xb8;
	[tilespmem:$0x1E400] =	vst v63  }
0x23d: {  	s13 =	simm.s32 $0x8C00  }
0x23e: {  	[tilespmem:s13], [sflag:$0x1] =	stream.indirect_vreg.gather [hbm4b:s5+s3], $0x80, v4, vm0, $0xb8;
	[tilespmem:$0x1E400] =	vst v63  }
0x23f: {  	s14 =	simm.s32 $0x9400  }
0x240: {  	[tilespmem:s14], [sflag:$0x1] =	stream.indirect_vreg.gather [hbm4b:s2+s3], $0x80, v3, vm0, $0xb8;
	[tilespmem:$0x1E400] =	vst v63  }
0x241: {  	s15 =	simm.s32 $0x9C00  }
0x242: {  	[tilespmem:s15], [sflag:$0x1] =	stream.indirect_vreg.gather [hbm4b:s5+s3], $0x80, v3, vm0, $0xb8;
	[tilespmem:$0x1E400] =	vst v63  }
0x243: {  	_ =	swait.ge [sflag:s10], $0xA000  }
0x244: {  	[sflag:s10] =	ssyncset.done $0x0  }
0x245: {  	s17 =	simm.s32 $0xA400;
	s16 =	rddreg [dreg:$0x8];
	[sflag:s10] =	ssyncadd.s32 $0xFFFF6000  }
0x246: {  	[hbm4b:s16+s3] =	stream.linear.scatter [tilespmem:s17], [sflag:$0x5], $0xA000, $0x38;
	[tilespmem:$0x1E400] =	vst v63  }
0x247: {  	_ =	swait.ge [sflag:s4], $0xA000  }
0x248: {  	[sflag:s4] =	ssyncset.done $0x0  }
0x249: {  	[sflag:s4] =	ssyncadd.s32 $0xFFFF6000  }
0x24a: {  	v3 =	vld [tilespmem:$0x230];
	_ =	sdelay $0x4  }
0x24b: {  	v35 =	vshll.u32 v3, $0x2  }
0x24c: {  	v3 =	vand.u32 $0x7, v3;
	v4 =	vand.u32 $0xFFFFFFE0, v35  }
0x24d: {  	v3 =	vor.u32 v3, v4  }
0x24e: {  	v4 =	vperm.xlane v3, v0;
	_ =	sdelay $0x1  }
0x24f: {  	v4 =	vadd.s32 v1, v4;
	_ =	sdelay $0x1  }
0x250: {  	v3 =	vperm.xlane v3, v2;
	_ =	sdelay $0x1  }
0x251: {  	v3 =	vadd.s32 v1, v3  }
0x252: {  	[tilespmem:s17], [sflag:$0x2] =	stream.indirect_vreg.gather [hbm4b:s2+s3], $0x80, v4, vm0, $0xb8;
	[tilespmem:$0x1E400] =	vst v63  }
0x253: {  	s18 =	simm.s32 $0xAC00  }
0x254: {  	[tilespmem:s18], [sflag:$0x2] =	stream.indirect_vreg.gather [hbm4b:s5+s3], $0x80, v4, vm0, $0xb8;
	[tilespmem:$0x1E400] =	vst v63  }
0x255: {  	s19 =	simm.s32 $0xB400  }
0x256: {  	[tilespmem:s19], [sflag:$0x2] =	stream.indirect_vreg.gather [hbm4b:s2+s3], $0x80, v3, vm0, $0xb8;
	[tilespmem:$0x1E400] =	vst v63  }
0x257: {  	s20 =	simm.s32 $0xBC00  }
0x258: {  	[tilespmem:s20], [sflag:$0x2] =	stream.indirect_vreg.gather [hbm4b:s5+s3], $0x80, v3, vm0, $0xb8;
	[tilespmem:$0x1E400] =	vst v63  }
0x259: {  	v3 =	vld [tilespmem:$0x240];
	_ =	sdelay $0x4  }
0x25a: {  	v36 =	vshll.u32 v3, $0x2  }
0x25b: {  	v3 =	vand.u32 $0x7, v3;
	v4 =	vand.u32 $0xFFFFFFE0, v36  }
0x25c: {  	v3 =	vor.u32 v3, v4  }
0x25d: {  	v4 =	vperm.xlane v3, v0;
	_ =	sdelay $0x1  }
0x25e: {  	v4 =	vadd.s32 v1, v4;
	_ =	sdelay $0x1  }
0x25f: {  	v3 =	vperm.xlane v3, v2;
	_ =	sdelay $0x1  }
0x260: {  	s25 =	simm.s32 $0xC400;
	v3 =	vadd.s32 v1, v3  }
0x261: {  	[tilespmem:s25], [sflag:$0x2] =	stream.indirect_vreg.gather [hbm4b:s2+s3], $0x80, v4, vm0, $0xb8;
	[tilespmem:$0x1E400] =	vst v63  }
0x262: {  	s29 =	simm.s32 $0xCC00  }
0x263: {  	[tilespmem:s29], [sflag:$0x2] =	stream.indirect_vreg.gather [hbm4b:s5+s3], $0x80, v4, vm0, $0xb8;
	[tilespmem:$0x1E400] =	vst v63  }
0x264: {  	_ = 	snop  }
0x265: {  	[tilespmem:s9], [sflag:$0x2] =	stream.indirect_vreg.gather [hbm4b:s2+s3], $0x80, v3, vm0, $0xb8;
	[tilespmem:$0x1E400] =	vst v63  }
0x266: {  	s9 =	simm.s32 $0xDC00  }
0x267: {  	[tilespmem:s9], [sflag:$0x2] =	stream.indirect_vreg.gather [hbm4b:s5+s3], $0x80, v3, vm0, $0xb8;
	[tilespmem:$0x1E400] =	vst v63  }
0x268: {  	v3 =	vld [tilespmem:$0x250];
	_ =	sdelay $0x4  }
0x269: {  	v37 =	vshll.u32 v3, $0x2  }
0x26a: {  	v3 =	vand.u32 $0x7, v3;
	v4 =	vand.u32 $0xFFFFFFE0, v37  }
0x26b: {  	v3 =	vor.u32 v3, v4  }
0x26c: {  	v4 =	vperm.xlane v3, v0;
	_ =	sdelay $0x1  }
0x26d: {  	v4 =	vadd.s32 v1, v4;
	_ =	sdelay $0x1  }
0x26e: {  	v3 =	vperm.xlane v3, v2;
	_ =	sdelay $0x1  }
0x26f: {  	s11 =	simm.s32 $0xE400;
	v3 =	vadd.s32 v1, v3  }
0x270: {  	[tilespmem:s11], [sflag:$0x2] =	stream.indirect_vreg.gather [hbm4b:s2+s3], $0x80, v4, vm0, $0xb8;
	[tilespmem:$0x1E400] =	vst v63  }
0x271: {  	s12 =	simm.s32 $0xEC00  }
0x272: {  	[tilespmem:s12], [sflag:$0x2] =	stream.indirect_vreg.gather [hbm4b:s5+s3], $0x80, v4, vm0, $0xb8;
	[tilespmem:$0x1E400] =	vst v63  }
0x273: {  	s13 =	simm.s32 $0xF400  }
0x274: {  	[tilespmem:s13], [sflag:$0x2] =	stream.indirect_vreg.gather [hbm4b:s2+s3], $0x80, v3, vm0, $0xb8;
	[tilespmem:$0x1E400] =	vst v63  }
0x275: {  	s14 =	simm.s32 $0xFC00  }
0x276: {  	[tilespmem:s14], [sflag:$0x2] =	stream.indirect_vreg.gather [hbm4b:s5+s3], $0x80, v3, vm0, $0xb8;
	[tilespmem:$0x1E400] =	vst v63  }
0x277: {  	v3 =	vld [tilespmem:$0x260];
	_ =	sdelay $0x4  }
0x278: {  	v38 =	vshll.u32 v3, $0x2  }
0x279: {  	v3 =	vand.u32 $0x7, v3;
	v4 =	vand.u32 $0xFFFFFFE0, v38  }
0x27a: {  	v3 =	vor.u32 v3, v4  }
0x27b: {  	v4 =	vperm.xlane v3, v0;
	_ =	sdelay $0x1  }
0x27c: {  	v4 =	vadd.s32 v1, v4;
	_ =	sdelay $0x1  }
0x27d: {  	v3 =	vperm.xlane v3, v2;
	_ =	sdelay $0x1  }
0x27e: {  	s15 =	simm.s32 $0x10400;
	v3 =	vadd.s32 v1, v3  }
0x27f: {  	[tilespmem:s15], [sflag:$0x2] =	stream.indirect_vreg.gather [hbm4b:s2+s3], $0x80, v4, vm0, $0xb8;
	[tilespmem:$0x1E400] =	vst v63  }
0x280: {  	s17 =	simm.s32 $0x10C00  }
0x281: {  	[tilespmem:s17], [sflag:$0x2] =	stream.indirect_vreg.gather [hbm4b:s5+s3], $0x80, v4, vm0, $0xb8;
	[tilespmem:$0x1E400] =	vst v63  }
0x282: {  	s25 =	simm.s32 $0x11400  }
0x283: {  	[tilespmem:s25], [sflag:$0x2] =	stream.indirect_vreg.gather [hbm4b:s2+s3], $0x80, v3, vm0, $0xb8;
	[tilespmem:$0x1E400] =	vst v63  }
0x284: {  	s9 =	simm.s32 $0x11C00  }
0x285: {  	[tilespmem:s9], [sflag:$0x2] =	stream.indirect_vreg.gather [hbm4b:s5+s3], $0x80, v3, vm0, $0xb8;
	[tilespmem:$0x1E400] =	vst v63  }
0x286: {  	v3 =	vld [tilespmem:$0x270];
	_ =	sdelay $0x4  }
0x287: {  	v39 =	vshll.u32 v3, $0x2  }
0x288: {  	v3 =	vand.u32 $0x7, v3;
	v4 =	vand.u32 $0xFFFFFFE0, v39  }
0x289: {  	v3 =	vor.u32 v3, v4  }
0x28a: {  	v4 =	vperm.xlane v3, v0;
	_ =	sdelay $0x1  }
0x28b: {  	v4 =	vadd.s32 v1, v4;
	_ =	sdelay $0x1  }
0x28c: {  	v3 =	vperm.xlane v3, v2;
	_ =	sdelay $0x1  }
0x28d: {  	s11 =	simm.s32 $0x12400;
	v3 =	vadd.s32 v1, v3  }
0x28e: {  	[tilespmem:s11], [sflag:$0x2] =	stream.indirect_vreg.gather [hbm4b:s2+s3], $0x80, v4, vm0, $0xb8;
	[tilespmem:$0x1E400] =	vst v63  }
0x28f: {  	s12 =	simm.s32 $0x12C00  }
0x290: {  	[tilespmem:s12], [sflag:$0x2] =	stream.indirect_vreg.gather [hbm4b:s5+s3], $0x80, v4, vm0, $0xb8;
	[tilespmem:$0x1E400] =	vst v63  }
0x291: {  	s13 =	simm.s32 $0x13400  }
0x292: {  	[tilespmem:s13], [sflag:$0x2] =	stream.indirect_vreg.gather [hbm4b:s2+s3], $0x80, v3, vm0, $0xb8;
	[tilespmem:$0x1E400] =	vst v63  }
0x293: {  	s14 =	simm.s32 $0x13C00  }
0x294: {  	[tilespmem:s14], [sflag:$0x2] =	stream.indirect_vreg.gather [hbm4b:s5+s3], $0x80, v3, vm0, $0xb8;
	[tilespmem:$0x1E400] =	vst v63  }
0x295: {  	_ =	swait.ge [sflag:s7], $0xA000  }
0x296: {  	[sflag:s7] =	ssyncset.done $0x0  }
0x297: {  	s17 =	simm.s32 $0x14400;
	s15 =	rddreg [dreg:$0x9];
	[sflag:s7] =	ssyncadd.s32 $0xFFFF6000  }
0x298: {  	[hbm4b:s15+s3] =	stream.linear.scatter [tilespmem:s17], [sflag:$0x6], $0xA000, $0x38;
	[tilespmem:$0x1E400] =	vst v63  }
0x299: {  	_ =	swait.ge [sflag:s24], $0xA000  }
0x29a: {  	[sflag:s24] =	ssyncset.done $0x0  }
0x29b: {  	[sflag:s24] =	ssyncadd.s32 $0xFFFF6000  }
0x29c: {  	v3 =	vld [tilespmem:$0x280];
	_ =	sdelay $0x4  }
0x29d: {  	v40 =	vshll.u32 v3, $0x2  }
0x29e: {  	v3 =	vand.u32 $0x7, v3;
	v4 =	vand.u32 $0xFFFFFFE0, v40  }
0x29f: {  	v3 =	vor.u32 v3, v4  }
0x2a0: {  	v4 =	vperm.xlane v3, v0;
	_ =	sdelay $0x1  }
0x2a1: {  	v4 =	vadd.s32 v1, v4;
	_ =	sdelay $0x1  }
0x2a2: {  	v3 =	vperm.xlane v3, v2;
	_ =	sdelay $0x1  }
0x2a3: {  	v3 =	vadd.s32 v1, v3  }
0x2a4: {  	[tilespmem:s17], [sflag:$0x3] =	stream.indirect_vreg.gather [hbm4b:s2+s3], $0x80, v4, vm0, $0xb8;
	[tilespmem:$0x1E400] =	vst v63  }
0x2a5: {  	_ = 	snop  }
0x2a6: {  	[tilespmem:s23], [sflag:$0x3] =	stream.indirect_vreg.gather [hbm4b:s5+s3], $0x80, v4, vm0, $0xb8;
	[tilespmem:$0x1E400] =	vst v63  }
0x2a7: {  	_ = 	snop  }
0x2a8: {  	[tilespmem:s26], [sflag:$0x3] =	stream.indirect_vreg.gather [hbm4b:s2+s3], $0x80, v3, vm0, $0xb8;
	[tilespmem:$0x1E400] =	vst v63  }
0x2a9: {  	s23 =	simm.s32 $0x15C00  }
0x2aa: {  	[tilespmem:s23], [sflag:$0x3] =	stream.indirect_vreg.gather [hbm4b:s5+s3], $0x80, v3, vm0, $0xb8;
	[tilespmem:$0x1E400] =	vst v63  }
0x2ab: {  	v3 =	vld [tilespmem:$0x290];
	_ =	sdelay $0x4  }
0x2ac: {  	v41 =	vshll.u32 v3, $0x2  }
0x2ad: {  	v3 =	vand.u32 $0x7, v3;
	v4 =	vand.u32 $0xFFFFFFE0, v41  }
0x2ae: {  	v3 =	vor.u32 v3, v4  }
0x2af: {  	v4 =	vperm.xlane v3, v0;
	_ =	sdelay $0x1  }
0x2b0: {  	v4 =	vadd.s32 v1, v4;
	_ =	sdelay $0x1  }
0x2b1: {  	v3 =	vperm.xlane v3, v2;
	_ =	sdelay $0x1  }
0x2b2: {  	v3 =	vadd.s32 v1, v3  }
0x2b3: {  	[tilespmem:s30], [sflag:$0x3] =	stream.indirect_vreg.gather [hbm4b:s2+s3], $0x80, v4, vm0, $0xb8;
	[tilespmem:$0x1E400] =	vst v63  }
0x2b4: {  	s25 =	simm.s32 $0x16C00  }
0x2b5: {  	[tilespmem:s25], [sflag:$0x3] =	stream.indirect_vreg.gather [hbm4b:s5+s3], $0x80, v4, vm0, $0xb8;
	[tilespmem:$0x1E400] =	vst v63  }
0x2b6: {  	_ = 	snop  }
0x2b7: {  	[tilespmem:s21], [sflag:$0x3] =	stream.indirect_vreg.gather [hbm4b:s2+s3], $0x80, v3, vm0, $0xb8;
	[tilespmem:$0x1E400] =	vst v63  }
0x2b8: {  	s30 =	simm.s32 $0x17C00  }
0x2b9: {  	[tilespmem:s30], [sflag:$0x3] =	stream.indirect_vreg.gather [hbm4b:s5+s3], $0x80, v3, vm0, $0xb8;
	[tilespmem:$0x1E400] =	vst v63  }
0x2ba: {  	v3 =	vld [tilespmem:$0x2A0];
	_ =	sdelay $0x4  }
0x2bb: {  	v42 =	vshll.u32 v3, $0x2  }
0x2bc: {  	v3 =	vand.u32 $0x7, v3;
	v4 =	vand.u32 $0xFFFFFFE0, v42  }
0x2bd: {  	v3 =	vor.u32 v3, v4  }
0x2be: {  	v4 =	vperm.xlane v3, v0;
	_ =	sdelay $0x1  }
0x2bf: {  	v4 =	vadd.s32 v1, v4;
	_ =	sdelay $0x1  }
0x2c0: {  	v3 =	vperm.xlane v3, v2;
	_ =	sdelay $0x1  }
0x2c1: {  	v3 =	vadd.s32 v1, v3  }
0x2c2: {  	[tilespmem:s22], [sflag:$0x3] =	stream.indirect_vreg.gather [hbm4b:s2+s3], $0x80, v4, vm0, $0xb8;
	[tilespmem:$0x1E400] =	vst v63  }
0x2c3: {  	_ = 	snop  }
0x2c4: {  	[tilespmem:s8], [sflag:$0x3] =	stream.indirect_vreg.gather [hbm4b:s5+s3], $0x80, v4, vm0, $0xb8;
	[tilespmem:$0x1E400] =	vst v63  }
0x2c5: {  	s8 =	simm.s32 $0x19400  }
0x2c6: {  	[tilespmem:s8], [sflag:$0x3] =	stream.indirect_vreg.gather [hbm4b:s2+s3], $0x80, v3, vm0, $0xb8;
	[tilespmem:$0x1E400] =	vst v63  }
0x2c7: {  	s8 =	simm.s32 $0x19C00  }
0x2c8: {  	[tilespmem:s8], [sflag:$0x3] =	stream.indirect_vreg.gather [hbm4b:s5+s3], $0x80, v3, vm0, $0xb8;
	[tilespmem:$0x1E400] =	vst v63  }
0x2c9: {  	v3 =	vld [tilespmem:$0x2B0];
	_ =	sdelay $0x4  }
0x2ca: {  	v43 =	vshll.u32 v3, $0x2  }
0x2cb: {  	v3 =	vand.u32 $0x7, v3;
	v4 =	vand.u32 $0xFFFFFFE0, v43  }
0x2cc: {  	v3 =	vor.u32 v3, v4  }
0x2cd: {  	v4 =	vperm.xlane v3, v0;
	_ =	sdelay $0x1  }
0x2ce: {  	v4 =	vadd.s32 v1, v4;
	_ =	sdelay $0x1  }
0x2cf: {  	v3 =	vperm.xlane v3, v2;
	_ =	sdelay $0x1  }
0x2d0: {  	v3 =	vadd.s32 v1, v3  }
0x2d1: {  	[tilespmem:s28], [sflag:$0x3] =	stream.indirect_vreg.gather [hbm4b:s2+s3], $0x80, v4, vm0, $0xb8;
	[tilespmem:$0x1E400] =	vst v63  }
0x2d2: {  	s12 =	simm.s32 $0x1AC00  }
0x2d3: {  	[tilespmem:s12], [sflag:$0x3] =	stream.indirect_vreg.gather [hbm4b:s5+s3], $0x80, v4, vm0, $0xb8;
	[tilespmem:$0x1E400] =	vst v63  }
0x2d4: {  	s13 =	simm.s32 $0x1B400  }
0x2d5: {  	[tilespmem:s13], [sflag:$0x3] =	stream.indirect_vreg.gather [hbm4b:s2+s3], $0x80, v3, vm0, $0xb8;
	[tilespmem:$0x1E400] =	vst v63  }
0x2d6: {  	s14 =	simm.s32 $0x1BC00  }
0x2d7: {  	[tilespmem:s14], [sflag:$0x3] =	stream.indirect_vreg.gather [hbm4b:s5+s3], $0x80, v3, vm0, $0xb8;
	[tilespmem:$0x1E400] =	vst v63  }
0x2d8: {  	v3 =	vld [tilespmem:$0x2C0];
	_ =	sdelay $0x4  }
0x2d9: {  	v44 =	vshll.u32 v3, $0x2  }
0x2da: {  	v3 =	vand.u32 $0x7, v3;
	v4 =	vand.u32 $0xFFFFFFE0, v44  }
0x2db: {  	v3 =	vor.u32 v3, v4  }
0x2dc: {  	v4 =	vperm.xlane v3, v0;
	_ =	sdelay $0x1  }
0x2dd: {  	v4 =	vadd.s32 v1, v4;
	_ =	sdelay $0x1  }
0x2de: {  	v3 =	vperm.xlane v3, v2;
	_ =	sdelay $0x1  }
0x2df: {  	s15 =	simm.s32 $0x1C400;
	v3 =	vadd.s32 v1, v3  }
0x2e0: {  	[tilespmem:s15], [sflag:$0x3] =	stream.indirect_vreg.gather [hbm4b:s2+s3], $0x80, v4, vm0, $0xb8;
	[tilespmem:$0x1E400] =	vst v63  }
0x2e1: {  	s17 =	simm.s32 $0x1CC00  }
0x2e2: {  	[tilespmem:s17], [sflag:$0x3] =	stream.indirect_vreg.gather [hbm4b:s5+s3], $0x80, v4, vm0, $0xb8;
	[tilespmem:$0x1E400] =	vst v63  }
0x2e3: {  	s25 =	simm.s32 $0x1D400  }
0x2e4: {  	[tilespmem:s25], [sflag:$0x3] =	stream.indirect_vreg.gather [hbm4b:s2+s3], $0x80, v3, vm0, $0xb8;
	[tilespmem:$0x1E400] =	vst v63  }
0x2e5: {  	s0 =	simm.s32 $0x1DC00  }
0x2e6: {  	[tilespmem:s0], [sflag:$0x3] =	stream.indirect_vreg.gather [hbm4b:s5+s3], $0x80, v3, vm0, $0xb8;
	[tilespmem:$0x1E400] =	vst v63  }
0x2e7: {  	_ =	swait.ge [sflag:s31], $0xA000  }
0x2e8: {  	[sflag:s31] =	ssyncset.done $0x0  }
0x2e9: {  	s0 =	simm.s32 $0x400;
	s25 =	rddreg [dreg:$0xa];
	[sflag:s31] =	ssyncadd.s32 $0xFFFF6000  }
0x2ea: {  	[hbm4b:s25+s3] =	stream.linear.scatter [tilespmem:s0], [sflag:$0x4], $0xA000, $0x38;
	[tilespmem:$0x1E400] =	vst v63  }
0x2eb: {  	_ =	swait.ge [sflag:s1], $0xA000  }
0x2ec: {  	[sflag:s1] =	ssyncset.done $0x0  }
0x2ed: {  	[sflag:s1] =	ssyncadd.s32 $0xFFFF6000  }
0x2ee: {  	v3 =	vld [tilespmem:$0x2D0];
	_ =	sdelay $0x4  }
0x2ef: {  	v45 =	vshll.u32 v3, $0x2  }
0x2f0: {  	v3 =	vand.u32 $0x7, v3;
	v4 =	vand.u32 $0xFFFFFFE0, v45  }
0x2f1: {  	v3 =	vor.u32 v3, v4  }
0x2f2: {  	v4 =	vperm.xlane v3, v0;
	_ =	sdelay $0x1  }
0x2f3: {  	v4 =	vadd.s32 v1, v4;
	_ =	sdelay $0x1  }
0x2f4: {  	v3 =	vperm.xlane v3, v2;
	_ =	sdelay $0x1  }
0x2f5: {  	v3 =	vadd.s32 v1, v3  }
0x2f6: {  	[tilespmem:s0], [sflag:$0x1] =	stream.indirect_vreg.gather [hbm4b:s2+s3], $0x80, v4, vm0, $0xb8;
	[tilespmem:$0x1E400] =	vst v63  }
0x2f7: {  	s25 =	simm.s32 $0xC00  }
0x2f8: {  	[tilespmem:s25], [sflag:$0x1] =	stream.indirect_vreg.gather [hbm4b:s5+s3], $0x80, v4, vm0, $0xb8;
	[tilespmem:$0x1E400] =	vst v63  }
0x2f9: {  	s25 =	simm.s32 $0x1400  }
0x2fa: {  	[tilespmem:s25], [sflag:$0x1] =	stream.indirect_vreg.gather [hbm4b:s2+s3], $0x80, v3, vm0, $0xb8;
	[tilespmem:$0x1E400] =	vst v63  }
0x2fb: {  	s25 =	simm.s32 $0x1C00  }
0x2fc: {  	[tilespmem:s25], [sflag:$0x1] =	stream.indirect_vreg.gather [hbm4b:s5+s3], $0x80, v3, vm0, $0xb8;
	[tilespmem:$0x1E400] =	vst v63  }
0x2fd: {  	v3 =	vld [tilespmem:$0x2E0];
	_ =	sdelay $0x4  }
0x2fe: {  	v46 =	vshll.u32 v3, $0x2  }
0x2ff: {  	v3 =	vand.u32 $0x7, v3;
	v4 =	vand.u32 $0xFFFFFFE0, v46  }
0x300: {  	v3 =	vor.u32 v3, v4  }
0x301: {  	v4 =	vperm.xlane v3, v0;
	_ =	sdelay $0x1  }
0x302: {  	v4 =	vadd.s32 v1, v4;
	_ =	sdelay $0x1  }
0x303: {  	v3 =	vperm.xlane v3, v2;
	_ =	sdelay $0x1  }
0x304: {  	s25 =	simm.s32 $0x2400;
	v3 =	vadd.s32 v1, v3  }
0x305: {  	[tilespmem:s25], [sflag:$0x1] =	stream.indirect_vreg.gather [hbm4b:s2+s3], $0x80, v4, vm0, $0xb8;
	[tilespmem:$0x1E400] =	vst v63  }
0x306: {  	s25 =	simm.s32 $0x2C00  }
0x307: {  	[tilespmem:s25], [sflag:$0x1] =	stream.indirect_vreg.gather [hbm4b:s5+s3], $0x80, v4, vm0, $0xb8;
	[tilespmem:$0x1E400] =	vst v63  }
0x308: {  	s25 =	simm.s32 $0x3400  }
0x309: {  	[tilespmem:s25], [sflag:$0x1] =	stream.indirect_vreg.gather [hbm4b:s2+s3], $0x80, v3, vm0, $0xb8;
	[tilespmem:$0x1E400] =	vst v63  }
0x30a: {  	s25 =	simm.s32 $0x3C00  }
0x30b: {  	[tilespmem:s25], [sflag:$0x1] =	stream.indirect_vreg.gather [hbm4b:s5+s3], $0x80, v3, vm0, $0xb8;
	[tilespmem:$0x1E400] =	vst v63  }
0x30c: {  	v3 =	vld [tilespmem:$0x2F0];
	_ =	sdelay $0x4  }
0x30d: {  	v47 =	vshll.u32 v3, $0x2  }
0x30e: {  	v3 =	vand.u32 $0x7, v3;
	v4 =	vand.u32 $0xFFFFFFE0, v47  }
0x30f: {  	v3 =	vor.u32 v3, v4  }
0x310: {  	v4 =	vperm.xlane v3, v0;
	_ =	sdelay $0x1  }
0x311: {  	v4 =	vadd.s32 v1, v4;
	_ =	sdelay $0x1  }
0x312: {  	v3 =	vperm.xlane v3, v2;
	_ =	sdelay $0x1  }
0x313: {  	s25 =	simm.s32 $0x4400;
	v3 =	vadd.s32 v1, v3  }
0x314: {  	[tilespmem:s25], [sflag:$0x1] =	stream.indirect_vreg.gather [hbm4b:s2+s3], $0x80, v4, vm0, $0xb8;
	[tilespmem:$0x1E400] =	vst v63  }
0x315: {  	s25 =	simm.s32 $0x4C00  }
0x316: {  	[tilespmem:s25], [sflag:$0x1] =	stream.indirect_vreg.gather [hbm4b:s5+s3], $0x80, v4, vm0, $0xb8;
	[tilespmem:$0x1E400] =	vst v63  }
0x317: {  	s25 =	simm.s32 $0x5400  }
0x318: {  	[tilespmem:s25], [sflag:$0x1] =	stream.indirect_vreg.gather [hbm4b:s2+s3], $0x80, v3, vm0, $0xb8;
	[tilespmem:$0x1E400] =	vst v63  }
0x319: {  	s25 =	simm.s32 $0x5C00  }
0x31a: {  	[tilespmem:s25], [sflag:$0x1] =	stream.indirect_vreg.gather [hbm4b:s5+s3], $0x80, v3, vm0, $0xb8;
	[tilespmem:$0x1E400] =	vst v63  }
0x31b: {  	v3 =	vld [tilespmem:$0x300];
	_ =	sdelay $0x4  }
0x31c: {  	v48 =	vshll.u32 v3, $0x2  }
0x31d: {  	v3 =	vand.u32 $0x7, v3;
	v4 =	vand.u32 $0xFFFFFFE0, v48  }
0x31e: {  	v3 =	vor.u32 v3, v4  }
0x31f: {  	v4 =	vperm.xlane v3, v0;
	_ =	sdelay $0x1  }
0x320: {  	v4 =	vadd.s32 v1, v4;
	_ =	sdelay $0x1  }
0x321: {  	v3 =	vperm.xlane v3, v2;
	_ =	sdelay $0x1  }
0x322: {  	s25 =	simm.s32 $0x6400;
	v3 =	vadd.s32 v1, v3  }
0x323: {  	[tilespmem:s25], [sflag:$0x1] =	stream.indirect_vreg.gather [hbm4b:s2+s3], $0x80, v4, vm0, $0xb8;
	[tilespmem:$0x1E400] =	vst v63  }
0x324: {  	s25 =	simm.s32 $0x6C00  }
0x325: {  	[tilespmem:s25], [sflag:$0x1] =	stream.indirect_vreg.gather [hbm4b:s5+s3], $0x80, v4, vm0, $0xb8;
	[tilespmem:$0x1E400] =	vst v63  }
0x326: {  	s25 =	simm.s32 $0x7400  }
0x327: {  	[tilespmem:s25], [sflag:$0x1] =	stream.indirect_vreg.gather [hbm4b:s2+s3], $0x80, v3, vm0, $0xb8;
	[tilespmem:$0x1E400] =	vst v63  }
0x328: {  	s25 =	simm.s32 $0x7C00  }
0x329: {  	[tilespmem:s25], [sflag:$0x1] =	stream.indirect_vreg.gather [hbm4b:s5+s3], $0x80, v3, vm0, $0xb8;
	[tilespmem:$0x1E400] =	vst v63  }
0x32a: {  	v3 =	vld [tilespmem:$0x310];
	_ =	sdelay $0x4  }
0x32b: {  	v49 =	vshll.u32 v3, $0x2  }
0x32c: {  	v3 =	vand.u32 $0x7, v3;
	v4 =	vand.u32 $0xFFFFFFE0, v49  }
0x32d: {  	v3 =	vor.u32 v3, v4  }
0x32e: {  	v4 =	vperm.xlane v3, v0;
	_ =	sdelay $0x1  }
0x32f: {  	v4 =	vadd.s32 v1, v4;
	_ =	sdelay $0x1  }
0x330: {  	v3 =	vperm.xlane v3, v2;
	_ =	sdelay $0x1  }
0x331: {  	s25 =	simm.s32 $0x8400;
	v3 =	vadd.s32 v1, v3  }
0x332: {  	[tilespmem:s25], [sflag:$0x1] =	stream.indirect_vreg.gather [hbm4b:s2+s3], $0x80, v4, vm0, $0xb8;
	[tilespmem:$0x1E400] =	vst v63  }
0x333: {  	s25 =	simm.s32 $0x8C00  }
0x334: {  	[tilespmem:s25], [sflag:$0x1] =	stream.indirect_vreg.gather [hbm4b:s5+s3], $0x80, v4, vm0, $0xb8;
	[tilespmem:$0x1E400] =	vst v63  }
0x335: {  	s25 =	simm.s32 $0x9400  }
0x336: {  	[tilespmem:s25], [sflag:$0x1] =	stream.indirect_vreg.gather [hbm4b:s2+s3], $0x80, v3, vm0, $0xb8;
	[tilespmem:$0x1E400] =	vst v63  }
0x337: {  	s25 =	simm.s32 $0x9C00  }
0x338: {  	[tilespmem:s25], [sflag:$0x1] =	stream.indirect_vreg.gather [hbm4b:s5+s3], $0x80, v3, vm0, $0xb8;
	[tilespmem:$0x1E400] =	vst v63  }
0x339: {  	_ =	swait.ge [sflag:s10], $0xA000  }
0x33a: {  	[sflag:s10] =	ssyncset.done $0x0  }
0x33b: {  	s16 =	simm.s32 $0xA400;
	s25 =	rddreg [dreg:$0xb];
	[sflag:s10] =	ssyncadd.s32 $0xFFFF6000  }
0x33c: {  	[hbm4b:s25+s3] =	stream.linear.scatter [tilespmem:s16], [sflag:$0x5], $0xA000, $0x38;
	[tilespmem:$0x1E400] =	vst v63  }
0x33d: {  	_ =	swait.ge [sflag:s4], $0xA000  }
0x33e: {  	[sflag:s4] =	ssyncset.done $0x0  }
0x33f: {  	[sflag:s4] =	ssyncadd.s32 $0xFFFF6000  }
0x340: {  	v3 =	vld [tilespmem:$0x320];
	_ =	sdelay $0x4  }
0x341: {  	v50 =	vshll.u32 v3, $0x2  }
0x342: {  	v3 =	vand.u32 $0x7, v3;
	v4 =	vand.u32 $0xFFFFFFE0, v50  }
0x343: {  	v3 =	vor.u32 v3, v4  }
0x344: {  	v4 =	vperm.xlane v3, v0;
	_ =	sdelay $0x1  }
0x345: {  	v4 =	vadd.s32 v1, v4;
	_ =	sdelay $0x1  }
0x346: {  	v3 =	vperm.xlane v3, v2;
	_ =	sdelay $0x1  }
0x347: {  	v3 =	vadd.s32 v1, v3  }
0x348: {  	[tilespmem:s16], [sflag:$0x2] =	stream.indirect_vreg.gather [hbm4b:s2+s3], $0x80, v4, vm0, $0xb8;
	[tilespmem:$0x1E400] =	vst v63  }
0x349: {  	s25 =	simm.s32 $0xAC00  }
0x34a: {  	[tilespmem:s25], [sflag:$0x2] =	stream.indirect_vreg.gather [hbm4b:s5+s3], $0x80, v4, vm0, $0xb8;
	[tilespmem:$0x1E400] =	vst v63  }
0x34b: {  	s25 =	simm.s32 $0xB400  }
0x34c: {  	[tilespmem:s25], [sflag:$0x2] =	stream.indirect_vreg.gather [hbm4b:s2+s3], $0x80, v3, vm0, $0xb8;
	[tilespmem:$0x1E400] =	vst v63  }
0x34d: {  	s25 =	simm.s32 $0xBC00  }
0x34e: {  	[tilespmem:s25], [sflag:$0x2] =	stream.indirect_vreg.gather [hbm4b:s5+s3], $0x80, v3, vm0, $0xb8;
	[tilespmem:$0x1E400] =	vst v63  }
0x34f: {  	v3 =	vld [tilespmem:$0x330];
	_ =	sdelay $0x4  }
0x350: {  	v51 =	vshll.u32 v3, $0x2  }
0x351: {  	v3 =	vand.u32 $0x7, v3;
	v4 =	vand.u32 $0xFFFFFFE0, v51  }
0x352: {  	v3 =	vor.u32 v3, v4  }
0x353: {  	v4 =	vperm.xlane v3, v0;
	_ =	sdelay $0x1  }
0x354: {  	v4 =	vadd.s32 v1, v4;
	_ =	sdelay $0x1  }
0x355: {  	v3 =	vperm.xlane v3, v2;
	_ =	sdelay $0x1  }
0x356: {  	s25 =	simm.s32 $0xC400;
	v3 =	vadd.s32 v1, v3  }
0x357: {  	[tilespmem:s25], [sflag:$0x2] =	stream.indirect_vreg.gather [hbm4b:s2+s3], $0x80, v4, vm0, $0xb8;
	[tilespmem:$0x1E400] =	vst v63  }
0x358: {  	s25 =	simm.s32 $0xCC00  }
0x359: {  	[tilespmem:s25], [sflag:$0x2] =	stream.indirect_vreg.gather [hbm4b:s5+s3], $0x80, v4, vm0, $0xb8;
	[tilespmem:$0x1E400] =	vst v63  }
0x35a: {  	s18 =	simm.s32 $0xD400  }
0x35b: {  	[tilespmem:s18], [sflag:$0x2] =	stream.indirect_vreg.gather [hbm4b:s2+s3], $0x80, v3, vm0, $0xb8;
	[tilespmem:$0x1E400] =	vst v63  }
0x35c: {  	s25 =	simm.s32 $0xDC00  }
0x35d: {  	[tilespmem:s25], [sflag:$0x2] =	stream.indirect_vreg.gather [hbm4b:s5+s3], $0x80, v3, vm0, $0xb8;
	[tilespmem:$0x1E400] =	vst v63  }
0x35e: {  	v3 =	vld [tilespmem:$0x340];
	_ =	sdelay $0x4  }
0x35f: {  	v52 =	vshll.u32 v3, $0x2  }
0x360: {  	v3 =	vand.u32 $0x7, v3;
	v4 =	vand.u32 $0xFFFFFFE0, v52  }
0x361: {  	v3 =	vor.u32 v3, v4  }
0x362: {  	v4 =	vperm.xlane v3, v0;
	_ =	sdelay $0x1  }
0x363: {  	v4 =	vadd.s32 v1, v4;
	_ =	sdelay $0x1  }
0x364: {  	v3 =	vperm.xlane v3, v2;
	_ =	sdelay $0x1  }
0x365: {  	s19 =	simm.s32 $0xE400;
	v3 =	vadd.s32 v1, v3  }
0x366: {  	[tilespmem:s19], [sflag:$0x2] =	stream.indirect_vreg.gather [hbm4b:s2+s3], $0x80, v4, vm0, $0xb8;
	[tilespmem:$0x1E400] =	vst v63  }
0x367: {  	s20 =	simm.s32 $0xEC00  }
0x368: {  	[tilespmem:s20], [sflag:$0x2] =	stream.indirect_vreg.gather [hbm4b:s5+s3], $0x80, v4, vm0, $0xb8;
	[tilespmem:$0x1E400] =	vst v63  }
0x369: {  	s29 =	simm.s32 $0xF400  }
0x36a: {  	[tilespmem:s29], [sflag:$0x2] =	stream.indirect_vreg.gather [hbm4b:s2+s3], $0x80, v3, vm0, $0xb8;
	[tilespmem:$0x1E400] =	vst v63  }
0x36b: {  	s29 =	simm.s32 $0xFC00  }
0x36c: {  	[tilespmem:s29], [sflag:$0x2] =	stream.indirect_vreg.gather [hbm4b:s5+s3], $0x80, v3, vm0, $0xb8;
	[tilespmem:$0x1E400] =	vst v63  }
0x36d: {  	v3 =	vld [tilespmem:$0x350];
	_ =	sdelay $0x4  }
0x36e: {  	v53 =	vshll.u32 v3, $0x2  }
0x36f: {  	v3 =	vand.u32 $0x7, v3;
	v4 =	vand.u32 $0xFFFFFFE0, v53  }
0x370: {  	v3 =	vor.u32 v3, v4  }
0x371: {  	v4 =	vperm.xlane v3, v0;
	_ =	sdelay $0x1  }
0x372: {  	v4 =	vadd.s32 v1, v4;
	_ =	sdelay $0x1  }
0x373: {  	v3 =	vperm.xlane v3, v2;
	_ =	sdelay $0x1  }
0x374: {  	s19 =	simm.s32 $0x10400;
	v3 =	vadd.s32 v1, v3  }
0x375: {  	[tilespmem:s19], [sflag:$0x2] =	stream.indirect_vreg.gather [hbm4b:s2+s3], $0x80, v4, vm0, $0xb8;
	[tilespmem:$0x1E400] =	vst v63  }
0x376: {  	s20 =	simm.s32 $0x10C00  }
0x377: {  	[tilespmem:s20], [sflag:$0x2] =	stream.indirect_vreg.gather [hbm4b:s5+s3], $0x80, v4, vm0, $0xb8;
	[tilespmem:$0x1E400] =	vst v63  }
0x378: {  	s25 =	simm.s32 $0x11400  }
0x379: {  	[tilespmem:s25], [sflag:$0x2] =	stream.indirect_vreg.gather [hbm4b:s2+s3], $0x80, v3, vm0, $0xb8;
	[tilespmem:$0x1E400] =	vst v63  }
0x37a: {  	s29 =	simm.s32 $0x11C00  }
0x37b: {  	[tilespmem:s29], [sflag:$0x2] =	stream.indirect_vreg.gather [hbm4b:s5+s3], $0x80, v3, vm0, $0xb8;
	[tilespmem:$0x1E400] =	vst v63  }
0x37c: {  	v3 =	vld [tilespmem:$0x360];
	_ =	sdelay $0x4  }
0x37d: {  	v54 =	vshll.u32 v3, $0x2  }
0x37e: {  	v3 =	vand.u32 $0x7, v3;
	v4 =	vand.u32 $0xFFFFFFE0, v54  }
0x37f: {  	v3 =	vor.u32 v3, v4  }
0x380: {  	v4 =	vperm.xlane v3, v0;
	_ =	sdelay $0x1  }
0x381: {  	v4 =	vadd.s32 v1, v4;
	_ =	sdelay $0x1  }
0x382: {  	v3 =	vperm.xlane v3, v2;
	_ =	sdelay $0x1  }
0x383: {  	s19 =	simm.s32 $0x12400;
	v3 =	vadd.s32 v1, v3  }
0x384: {  	[tilespmem:s19], [sflag:$0x2] =	stream.indirect_vreg.gather [hbm4b:s2+s3], $0x80, v4, vm0, $0xb8;
	[tilespmem:$0x1E400] =	vst v63  }
0x385: {  	s20 =	simm.s32 $0x12C00  }
0x386: {  	[tilespmem:s20], [sflag:$0x2] =	stream.indirect_vreg.gather [hbm4b:s5+s3], $0x80, v4, vm0, $0xb8;
	[tilespmem:$0x1E400] =	vst v63  }
0x387: {  	s25 =	simm.s32 $0x13400  }
0x388: {  	[tilespmem:s25], [sflag:$0x2] =	stream.indirect_vreg.gather [hbm4b:s2+s3], $0x80, v3, vm0, $0xb8;
	[tilespmem:$0x1E400] =	vst v63  }
0x389: {  	s29 =	simm.s32 $0x13C00  }
0x38a: {  	[tilespmem:s29], [sflag:$0x2] =	stream.indirect_vreg.gather [hbm4b:s5+s3], $0x80, v3, vm0, $0xb8;
	[tilespmem:$0x1E400] =	vst v63  }
0x38b: {  	_ =	swait.ge [sflag:s7], $0xA000  }
0x38c: {  	[sflag:s7] =	ssyncset.done $0x0  }
0x38d: {  	s11 =	simm.s32 $0x14400;
	s18 =	rddreg [dreg:$0xc];
	[sflag:s7] =	ssyncadd.s32 $0xFFFF6000  }
0x38e: {  	[hbm4b:s18+s3] =	stream.linear.scatter [tilespmem:s11], [sflag:$0x6], $0xA000, $0x38;
	[tilespmem:$0x1E400] =	vst v63  }
0x38f: {  	_ =	swait.ge [sflag:s24], $0xA000  }
0x390: {  	[sflag:s24] =	ssyncset.done $0x0  }
0x391: {  	[sflag:s24] =	ssyncadd.s32 $0xFFFF6000  }
0x392: {  	v3 =	vld [tilespmem:$0x370];
	_ =	sdelay $0x4  }
0x393: {  	v55 =	vshll.u32 v3, $0x2  }
0x394: {  	v3 =	vand.u32 $0x7, v3;
	v4 =	vand.u32 $0xFFFFFFE0, v55  }
0x395: {  	v3 =	vor.u32 v3, v4  }
0x396: {  	v4 =	vperm.xlane v3, v0;
	_ =	sdelay $0x1  }
0x397: {  	v4 =	vadd.s32 v1, v4;
	_ =	sdelay $0x1  }
0x398: {  	v3 =	vperm.xlane v3, v2;
	_ =	sdelay $0x1  }
0x399: {  	v3 =	vadd.s32 v1, v3  }
0x39a: {  	[tilespmem:s11], [sflag:$0x3] =	stream.indirect_vreg.gather [hbm4b:s2+s3], $0x80, v4, vm0, $0xb8;
	[tilespmem:$0x1E400] =	vst v63  }
0x39b: {  	s19 =	simm.s32 $0x14C00  }
0x39c: {  	[tilespmem:s19], [sflag:$0x3] =	stream.indirect_vreg.gather [hbm4b:s5+s3], $0x80, v4, vm0, $0xb8;
	[tilespmem:$0x1E400] =	vst v63  }
0x39d: {  	s26 =	simm.s32 $0x15400  }
0x39e: {  	[tilespmem:s26], [sflag:$0x3] =	stream.indirect_vreg.gather [hbm4b:s2+s3], $0x80, v3, vm0, $0xb8;
	[tilespmem:$0x1E400] =	vst v63  }
0x39f: {  	s20 =	simm.s32 $0x15C00  }
0x3a0: {  	[tilespmem:s20], [sflag:$0x3] =	stream.indirect_vreg.gather [hbm4b:s5+s3], $0x80, v3, vm0, $0xb8;
	[tilespmem:$0x1E400] =	vst v63  }
0x3a1: {  	v3 =	vld [tilespmem:$0x380];
	_ =	sdelay $0x4  }
0x3a2: {  	v56 =	vshll.u32 v3, $0x2  }
0x3a3: {  	v3 =	vand.u32 $0x7, v3;
	v4 =	vand.u32 $0xFFFFFFE0, v56  }
0x3a4: {  	v3 =	vor.u32 v3, v4  }
0x3a5: {  	v4 =	vperm.xlane v3, v0;
	_ =	sdelay $0x1  }
0x3a6: {  	v4 =	vadd.s32 v1, v4;
	_ =	sdelay $0x1  }
0x3a7: {  	v3 =	vperm.xlane v3, v2;
	_ =	sdelay $0x1  }
0x3a8: {  	s23 =	simm.s32 $0x16400;
	v3 =	vadd.s32 v1, v3  }
0x3a9: {  	[tilespmem:s23], [sflag:$0x3] =	stream.indirect_vreg.gather [hbm4b:s2+s3], $0x80, v4, vm0, $0xb8;
	[tilespmem:$0x1E400] =	vst v63  }
0x3aa: {  	s23 =	simm.s32 $0x16C00  }
0x3ab: {  	[tilespmem:s23], [sflag:$0x3] =	stream.indirect_vreg.gather [hbm4b:s5+s3], $0x80, v4, vm0, $0xb8;
	[tilespmem:$0x1E400] =	vst v63  }
0x3ac: {  	s21 =	simm.s32 $0x17400  }
0x3ad: {  	[tilespmem:s21], [sflag:$0x3] =	stream.indirect_vreg.gather [hbm4b:s2+s3], $0x80, v3, vm0, $0xb8;
	[tilespmem:$0x1E400] =	vst v63  }
0x3ae: {  	s25 =	simm.s32 $0x17C00  }
0x3af: {  	[tilespmem:s25], [sflag:$0x3] =	stream.indirect_vreg.gather [hbm4b:s5+s3], $0x80, v3, vm0, $0xb8;
	[tilespmem:$0x1E400] =	vst v63  }
0x3b0: {  	v3 =	vld [tilespmem:$0x390];
	_ =	sdelay $0x4  }
0x3b1: {  	v57 =	vshll.u32 v3, $0x2  }
0x3b2: {  	v3 =	vand.u32 $0x7, v3;
	v4 =	vand.u32 $0xFFFFFFE0, v57  }
0x3b3: {  	v3 =	vor.u32 v3, v4  }
0x3b4: {  	v4 =	vperm.xlane v3, v0;
	_ =	sdelay $0x1  }
0x3b5: {  	v4 =	vadd.s32 v1, v4;
	_ =	sdelay $0x1  }
0x3b6: {  	v3 =	vperm.xlane v3, v2;
	_ =	sdelay $0x1  }
0x3b7: {  	s22 =	simm.s32 $0x18400;
	v3 =	vadd.s32 v1, v3  }
0x3b8: {  	[tilespmem:s22], [sflag:$0x3] =	stream.indirect_vreg.gather [hbm4b:s2+s3], $0x80, v4, vm0, $0xb8;
	[tilespmem:$0x1E400] =	vst v63  }
0x3b9: {  	s26 =	simm.s32 $0x18C00  }
0x3ba: {  	[tilespmem:s26], [sflag:$0x3] =	stream.indirect_vreg.gather [hbm4b:s5+s3], $0x80, v4, vm0, $0xb8;
	[tilespmem:$0x1E400] =	vst v63  }
0x3bb: {  	s9 =	simm.s32 $0x19400  }
0x3bc: {  	[tilespmem:s9], [sflag:$0x3] =	stream.indirect_vreg.gather [hbm4b:s2+s3], $0x80, v3, vm0, $0xb8;
	[tilespmem:$0x1E400] =	vst v63  }
0x3bd: {  	_ = 	snop  }
0x3be: {  	[tilespmem:s8], [sflag:$0x3] =	stream.indirect_vreg.gather [hbm4b:s5+s3], $0x80, v3, vm0, $0xb8;
	[tilespmem:$0x1E400] =	vst v63  }
0x3bf: {  	v3 =	vld [tilespmem:$0x3A0];
	_ =	sdelay $0x4  }
0x3c0: {  	v58 =	vshll.u32 v3, $0x2  }
0x3c1: {  	v3 =	vand.u32 $0x7, v3;
	v4 =	vand.u32 $0xFFFFFFE0, v58  }
0x3c2: {  	v3 =	vor.u32 v3, v4  }
0x3c3: {  	v4 =	vperm.xlane v3, v0;
	_ =	sdelay $0x1  }
0x3c4: {  	v4 =	vadd.s32 v1, v4;
	_ =	sdelay $0x1  }
0x3c5: {  	v3 =	vperm.xlane v3, v2;
	_ =	sdelay $0x1  }
0x3c6: {  	s28 =	simm.s32 $0x1A400;
	v3 =	vadd.s32 v1, v3  }
0x3c7: {  	[tilespmem:s28], [sflag:$0x3] =	stream.indirect_vreg.gather [hbm4b:s2+s3], $0x80, v4, vm0, $0xb8;
	[tilespmem:$0x1E400] =	vst v63  }
0x3c8: {  	s30 =	simm.s32 $0x1AC00  }
0x3c9: {  	[tilespmem:s30], [sflag:$0x3] =	stream.indirect_vreg.gather [hbm4b:s5+s3], $0x80, v4, vm0, $0xb8;
	[tilespmem:$0x1E400] =	vst v63  }
0x3ca: {  	s12 =	simm.s32 $0x1B400  }
0x3cb: {  	[tilespmem:s12], [sflag:$0x3] =	stream.indirect_vreg.gather [hbm4b:s2+s3], $0x80, v3, vm0, $0xb8;
	[tilespmem:$0x1E400] =	vst v63  }
0x3cc: {  	s28 =	simm.s32 $0x1BC00  }
0x3cd: {  	[tilespmem:s28], [sflag:$0x3] =	stream.indirect_vreg.gather [hbm4b:s5+s3], $0x80, v3, vm0, $0xb8;
	[tilespmem:$0x1E400] =	vst v63  }
0x3ce: {  	v3 =	vld [tilespmem:$0x3B0];
	_ =	sdelay $0x4  }
0x3cf: {  	v59 =	vshll.u32 v3, $0x2  }
0x3d0: {  	v3 =	vand.u32 $0x7, v3;
	v4 =	vand.u32 $0xFFFFFFE0, v59  }
0x3d1: {  	v3 =	vor.u32 v3, v4  }
0x3d2: {  	v4 =	vperm.xlane v3, v0;
	_ =	sdelay $0x1  }
0x3d3: {  	v4 =	vadd.s32 v1, v4;
	_ =	sdelay $0x1  }
0x3d4: {  	v3 =	vperm.xlane v3, v2;
	_ =	sdelay $0x1  }
0x3d5: {  	s13 =	simm.s32 $0x1C400;
	v3 =	vadd.s32 v1, v3  }
0x3d6: {  	[tilespmem:s13], [sflag:$0x3] =	stream.indirect_vreg.gather [hbm4b:s2+s3], $0x80, v4, vm0, $0xb8;
	[tilespmem:$0x1E400] =	vst v63  }
0x3d7: {  	s14 =	simm.s32 $0x1CC00  }
0x3d8: {  	[tilespmem:s14], [sflag:$0x3] =	stream.indirect_vreg.gather [hbm4b:s5+s3], $0x80, v4, vm0, $0xb8;
	[tilespmem:$0x1E400] =	vst v63  }
0x3d9: {  	s15 =	simm.s32 $0x1D400  }
0x3da: {  	[tilespmem:s15], [sflag:$0x3] =	stream.indirect_vreg.gather [hbm4b:s2+s3], $0x80, v3, vm0, $0xb8;
	[tilespmem:$0x1E400] =	vst v63  }
0x3db: {  	s17 =	simm.s32 $0x1DC00  }
0x3dc: {  	[tilespmem:s17], [sflag:$0x3] =	stream.indirect_vreg.gather [hbm4b:s5+s3], $0x80, v3, vm0, $0xb8;
	[tilespmem:$0x1E400] =	vst v63  }
0x3dd: {  	_ =	swait.ge [sflag:s31], $0xA000  }
0x3de: {  	[sflag:s31] =	ssyncset.done $0x0  }
0x3df: {  	s0 =	simm.s32 $0x400;
	s29 =	rddreg [dreg:$0xd];
	[sflag:s31] =	ssyncadd.s32 $0xFFFF6000  }
0x3e0: {  	[hbm4b:s29+s3] =	stream.linear.scatter [tilespmem:s0], [sflag:$0x4], $0xA000, $0x38;
	[tilespmem:$0x1E400] =	vst v63  }
0x3e1: {  	_ =	swait.ge [sflag:s1], $0xA000  }
0x3e2: {  	[sflag:s1] =	ssyncset.done $0x0  }
0x3e3: {  	[sflag:s1] =	ssyncadd.s32 $0xFFFF6000  }
0x3e4: {  	v3 =	vld [tilespmem:$0x3C0];
	_ =	sdelay $0x4  }
0x3e5: {  	v60 =	vshll.u32 v3, $0x2  }
0x3e6: {  	v3 =	vand.u32 $0x7, v3;
	v4 =	vand.u32 $0xFFFFFFE0, v60  }
0x3e7: {  	v3 =	vor.u32 v3, v4  }
0x3e8: {  	v4 =	vperm.xlane v3, v0;
	_ =	sdelay $0x1  }
0x3e9: {  	v4 =	vadd.s32 v1, v4;
	_ =	sdelay $0x1  }
0x3ea: {  	v3 =	vperm.xlane v3, v2;
	_ =	sdelay $0x1  }
0x3eb: {  	v3 =	vadd.s32 v1, v3  }
0x3ec: {  	[tilespmem:s0], [sflag:$0x1] =	stream.indirect_vreg.gather [hbm4b:s2+s3], $0x80, v4, vm0, $0xb8;
	[tilespmem:$0x1E400] =	vst v63  }
0x3ed: {  	s30 =	simm.s32 $0xC00  }
0x3ee: {  	[tilespmem:s30], [sflag:$0x1] =	stream.indirect_vreg.gather [hbm4b:s5+s3], $0x80, v4, vm0, $0xb8;
	[tilespmem:$0x1E400] =	vst v63  }
0x3ef: {  	s9 =	simm.s32 $0x1400  }
0x3f0: {  	[tilespmem:s9], [sflag:$0x1] =	stream.indirect_vreg.gather [hbm4b:s2+s3], $0x80, v3, vm0, $0xb8;
	[tilespmem:$0x1E400] =	vst v63  }
0x3f1: {  	s12 =	simm.s32 $0x1C00  }
0x3f2: {  	[tilespmem:s12], [sflag:$0x1] =	stream.indirect_vreg.gather [hbm4b:s5+s3], $0x80, v3, vm0, $0xb8;
	[tilespmem:$0x1E400] =	vst v63  }
0x3f3: {  	v3 =	vld [tilespmem:$0x3D0];
	_ =	sdelay $0x4  }
0x3f4: {  	v61 =	vshll.u32 v3, $0x2  }
0x3f5: {  	v3 =	vand.u32 $0x7, v3;
	v4 =	vand.u32 $0xFFFFFFE0, v61  }
0x3f6: {  	v3 =	vor.u32 v3, v4  }
0x3f7: {  	v4 =	vperm.xlane v3, v0;
	_ =	sdelay $0x1  }
0x3f8: {  	v4 =	vadd.s32 v1, v4;
	_ =	sdelay $0x1  }
0x3f9: {  	v3 =	vperm.xlane v3, v2;
	_ =	sdelay $0x1  }
0x3fa: {  	s13 =	simm.s32 $0x2400;
	v3 =	vadd.s32 v1, v3  }
0x3fb: {  	[tilespmem:s13], [sflag:$0x1] =	stream.indirect_vreg.gather [hbm4b:s2+s3], $0x80, v4, vm0, $0xb8;
	[tilespmem:$0x1E400] =	vst v63  }
0x3fc: {  	s14 =	simm.s32 $0x2C00  }
0x3fd: {  	[tilespmem:s14], [sflag:$0x1] =	stream.indirect_vreg.gather [hbm4b:s5+s3], $0x80, v4, vm0, $0xb8;
	[tilespmem:$0x1E400] =	vst v63  }
0x3fe: {  	s15 =	simm.s32 $0x3400  }
0x3ff: {  	[tilespmem:s15], [sflag:$0x1] =	stream.indirect_vreg.gather [hbm4b:s2+s3], $0x80, v3, vm0, $0xb8;
	[tilespmem:$0x1E400] =	vst v63  }
0x400: {  	s17 =	simm.s32 $0x3C00  }
0x401: {  	[tilespmem:s17], [sflag:$0x1] =	stream.indirect_vreg.gather [hbm4b:s5+s3], $0x80, v3, vm0, $0xb8;
	[tilespmem:$0x1E400] =	vst v63  }
0x402: {  	v3 =	vld [tilespmem:$0x3E0];
	_ =	sdelay $0x4  }
0x403: {  	v62 =	vshll.u32 v3, $0x2  }
0x404: {  	v3 =	vand.u32 $0x7, v3;
	v4 =	vand.u32 $0xFFFFFFE0, v62  }
0x405: {  	v3 =	vor.u32 v3, v4  }
0x406: {  	v4 =	vperm.xlane v3, v0;
	_ =	sdelay $0x1  }
0x407: {  	v4 =	vadd.s32 v1, v4;
	_ =	sdelay $0x1  }
0x408: {  	v3 =	vperm.xlane v3, v2;
	_ =	sdelay $0x1  }
0x409: {  	s18 =	simm.s32 $0x4400;
	v3 =	vadd.s32 v1, v3  }
0x40a: {  	[tilespmem:s18], [sflag:$0x1] =	stream.indirect_vreg.gather [hbm4b:s2+s3], $0x80, v4, vm0, $0xb8;
	[tilespmem:$0x1E400] =	vst v63  }
0x40b: {  	s19 =	simm.s32 $0x4C00  }
0x40c: {  	[tilespmem:s19], [sflag:$0x1] =	stream.indirect_vreg.gather [hbm4b:s5+s3], $0x80, v4, vm0, $0xb8;
	[tilespmem:$0x1E400] =	vst v63  }
0x40d: {  	s20 =	simm.s32 $0x5400  }
0x40e: {  	[tilespmem:s20], [sflag:$0x1] =	stream.indirect_vreg.gather [hbm4b:s2+s3], $0x80, v3, vm0, $0xb8;
	[tilespmem:$0x1E400] =	vst v63  }
0x40f: {  	s21 =	simm.s32 $0x5C00  }
0x410: {  	[tilespmem:s21], [sflag:$0x1] =	stream.indirect_vreg.gather [hbm4b:s5+s3], $0x80, v3, vm0, $0xb8;
	[tilespmem:$0x1E400] =	vst v63  }
0x411: {  	v3 =	vld [tilespmem:$0x3F0];
	_ =	sdelay $0x4  }
0x412: {  	v63 =	vshll.u32 v3, $0x2  }
0x413: {  	v3 =	vand.u32 $0x7, v3;
	v4 =	vand.u32 $0xFFFFFFE0, v63  }
0x414: {  	v3 =	vor.u32 v3, v4  }
0x415: {  	v4 =	vperm.xlane v3, v0;
	_ =	sdelay $0x1  }
0x416: {  	v4 =	vadd.s32 v1, v4;
	_ =	sdelay $0x1  }
0x417: {  	v3 =	vperm.xlane v3, v2;
	_ =	sdelay $0x1  }
0x418: {  	s22 =	simm.s32 $0x6400;
	v3 =	vadd.s32 v1, v3  }
0x419: {  	[tilespmem:s22], [sflag:$0x1] =	stream.indirect_vreg.gather [hbm4b:s2+s3], $0x80, v4, vm0, $0xb8;
	[tilespmem:$0x1E400] =	vst v63  }
0x41a: {  	s23 =	simm.s32 $0x6C00  }
0x41b: {  	[tilespmem:s23], [sflag:$0x1] =	stream.indirect_vreg.gather [hbm4b:s5+s3], $0x80, v4, vm0, $0xb8;
	[tilespmem:$0x1E400] =	vst v63  }
0x41c: {  	s25 =	simm.s32 $0x7400  }
0x41d: {  	[tilespmem:s25], [sflag:$0x1] =	stream.indirect_vreg.gather [hbm4b:s2+s3], $0x80, v3, vm0, $0xb8;
	[tilespmem:$0x1E400] =	vst v63  }
0x41e: {  	s26 =	simm.s32 $0x7C00  }
0x41f: {  	[tilespmem:s26], [sflag:$0x1] =	stream.indirect_vreg.gather [hbm4b:s5+s3], $0x80, v3, vm0, $0xb8;
	[tilespmem:$0x1E400] =	vst v63  }
0x420: {  	_ =	swait.ge [sflag:s10], $0xA000  }
0x421: {  	[sflag:s10] =	ssyncset.done $0x0  }
0x422: {  	s28 =	rddreg [dreg:$0xe];
	[sflag:s10] =	ssyncadd.s32 $0xFFFF6000  }
0x423: {  	[hbm4b:s28+s3] =	stream.linear.scatter [tilespmem:s16], [sflag:$0x5], $0xA000, $0x38;
	[tilespmem:$0x1E400] =	vst v63  }
0x424: {  	_ =	swait.ge [sflag:s7], $0xA000  }
0x425: {  	[sflag:s7] =	ssyncset.done $0x0  }
0x426: {  	s29 =	rddreg [dreg:$0xf];
	[sflag:s7] =	ssyncadd.s32 $0xFFFF6000  }
0x427: {  	[hbm4b:s29+s3] =	stream.linear.scatter [tilespmem:s11], [sflag:$0x6], $0xA000, $0x38;
	[tilespmem:$0x1E400] =	vst v63  }
0x428: {  	_ =	swait.ge [sflag:s31], $0x8000  }
0x429: {  	[sflag:s31] =	ssyncset.done $0x0  }
0x42a: {  	s30 =	rddreg [dreg:$0x10];
	[sflag:s31] =	ssyncadd.s32 $0xFFFF8000  }
0x42b: {  	[hbm4b:s30+s3] =	stream.linear.scatter [tilespmem:s0], [sflag:$0x4], $0x8000, $0x38;
	[tilespmem:$0x1E400] =	vst v63  }
0x42c: {  	_ =	swait.ge [sflag:s1], $0x8000  }
0x42d: {  	[sflag:s1] =	ssyncset.done $0x0  }
0x42e: {  	[sflag:s1] =	ssyncadd.s32 $0xFFFF8000  }
0x42f: {  	p0 =	sne.s32 s6, $0x1;
	_ =	swait.ge [sflag:s4], $0xA000  }
.Ltmp0:
0x430: {  	[sflag:s4] =	ssyncset.done $0x0;
	(pc) =	sbr.rel @p0 .LBB2_1-.Ltmp0, $4  }
0x431: {  	[sflag:s4] =	ssyncadd.s32 $0xFFFF6000  }
0x432: {  	_ =	swait.ge [sflag:s24], $0xA000  }
0x433: {  	[sflag:s24] =	ssyncset.done $0x0  }
0x434: {  	s6 =	sadd.s32 $0xFFFFFFFF, s6;
	[sflag:s24] =	ssyncadd.s32 $0xFFFF6000  }
0x435: {  	_ =	sfence.sel $0x180000  }
0x436: {  	[bflag:$0x0] =	sbarrier.arrive $0xFFFF  }
0x437: {  	_ =	strace $0x90000047  }
0x438: {  	s0 =	stileid.u32;
	[bflag:$0x2] =	sbarrier.arrive $0xFFFF  }
0x439: {  	p0 =	sne.s32 s0, $0x0;
	s0 =	rddreg [dreg:$0x3]  }
0x43a: {  	s0 =	sadd.s32 @!p0 $0x100000, s0  }
0x43b: {  	[sflag:s0] =	ssyncadd.tile.s32 @!p0 $0x1;
	_ =	shalt  }
.Lfunc_end2:
_tile_overlayer_lowered:
.L_overlay_start_2:
0x43c: {  	(tag) =	ssettag $0x2  }
0x43d: {  	s0 =	rddreg [dreg:$0x0];
	s2 =	stileid.u32  }
0x43e: {  	s1 =	rddreg [dreg:$0x1];
	p0 =	sne.s32 s2, $0x0  }
0x43f: {  	s3 =	rddreg [dreg:$0x2];
	[bflag:$0x3] =	sbarrier.arrive $0xFFFF;
	s2 =	simm.s32 @!p0 $0x1C07  }
0x440: {  	[timem:s3], [sflag:s2] =	dma.local @!p0 [hbm:s0], s1  }
0x441: {  	s0 =	simm.s32 @!p0 $0x7  }
0x442: {  	_ =	swait.ge @!p0 [sflag:s0], s1  }
0x443: {  	s1 =	ssub.s32 @!p0 $0x0, s1;
	[sflag:s0] =	ssyncset.done @!p0 $0x0  }
0x444: {  	[sflag:s0] =	ssyncadd.s32 @!p0 s1  }
0x445: {  	[bflag:$0x3] =	sbarrier.arrive $0xFFFF  }
0x446: {  	_ =	shalt  }

</sc_bundles>
